<compile_context>
chip_gen: v7x
topology: tpu7x:2x2x1
jax: 0.10.2.dev20260603
libtpu: 0.0.44.dev20260713+nightly
codegen_flags: <defaults>
</compile_context>

<pallas_src>
import functools
import math

import jax
import jax.numpy as jnp
from jax import lax
from jax.experimental import pallas as pl
from jax.experimental.pallas import tpu as pltpu
from jax.experimental.pallas import tpu_sc as plsc

N = 10000
E = 320000
D = 128
H = 4
C = 32
HID = 128
G = 64

NC = 2
NS = 16
NW = NC * NS
K = 128
EPT = 10368
E_PAD = NW * EPT
CHUNKS = EPT // K
AW = 144
RPT = 640
ACC_R = 10016
BNS = 1.0 / math.sqrt(1.0 + 1e-5)


def _sc_edge_body(h_hbm, as_hbm, ad_hbm, src_hbm, dst_hbm, out_hbm,
                  acc, hrow, srow, arow_s, arow_d,
                  sidx, didx_s, sem_h, sem_a, sem_d):
    c = lax.axis_index("c")
    s = lax.axis_index("s")
    wid = s * NC + c

    def zrow(k, carry):
        for j in range(AW // 16):
            srow[k, pl.ds(16 * j, 16)] = jnp.zeros((16,), jnp.float32)
        return carry
    lax.fori_loop(0, K, zrow, 0)

    base_r = jnp.minimum(s * (ACC_R // NS), ACC_R - RPT)
    for r in range(RPT // K):
        pltpu.sync_copy(srow, acc.at[pl.ds(base_r + r * K, K)])
    plsc.subcore_barrier()

    iot = lax.iota(jnp.int32, 16)
    gdn = lax.GatherDimensionNumbers(
        offset_dims=(), collapsed_slice_dims=(0,), start_index_map=(0,))

    def bcast(v, lane):
        return lax.gather(v, jnp.full((16, 1), lane, jnp.int32), gdn,
                          slice_sizes=(1,),
                          mode=lax.GatherScatterMode.PROMISE_IN_BOUNDS)

    def chunk(g, carry):
        base = wid * EPT + g * K
        pltpu.sync_copy(src_hbm.at[pl.ds(base, K)], sidx)
        pltpu.sync_copy(dst_hbm.at[pl.ds(base, K)], didx_s.at[0])
        cp_h = pltpu.async_copy(h_hbm.at[sidx], hrow, sem_h)
        cp_a = pltpu.async_copy(as_hbm.at[sidx], arow_s, sem_a)
        cp_d = pltpu.async_copy(ad_hbm.at[didx_s.at[0]], arow_d, sem_d)
        cp_h.wait()
        cp_a.wait()
        cp_d.wait()

        def edge(k, carry2):
            e0 = arow_s[k, :] + arow_d[k, :]
            e = jnp.maximum(e0, e0 * 0.2)
            w = jnp.where(iot < H, jnp.exp(e), 0.0)
            srow[k, pl.ds(128, 16)] = w
            for hd in range(H):
                whd = bcast(w, hd)
                for j in (2 * hd, 2 * hd + 1):
                    srow[k, pl.ds(16 * j, 16)] = (
                        hrow[k, pl.ds(16 * j, 16)] * whd)
            return carry2
        lax.fori_loop(0, K, edge, 0)

        pltpu.sync_copy(srow, acc.at[didx_s.at[0]], add=True)
        return carry
    lax.fori_loop(0, CHUNKS, chunk, 0)

    plsc.subcore_barrier()
    for r in range(RPT // K):
        pltpu.sync_copy(acc.at[pl.ds(base_r + r * K, K)],
                        out_hbm.at[c, pl.ds(base_r + r * K, K)])


@functools.cache
def _sc_edge_agg_fn():
  return pl.kernel(
    _sc_edge_body,
    out_type=jax.ShapeDtypeStruct((NC, ACC_R, AW), jnp.float32),
    mesh=plsc.VectorSubcoreMesh(core_axis_name="c", subcore_axis_name="s"),
    compiler_params=pltpu.CompilerParams(use_tc_tiling_on_sc=False),
    scratch_types=[
        pltpu.VMEM_SHARED((ACC_R, AW), jnp.float32),
        pltpu.VMEM((K, D), jnp.float32),
        pltpu.VMEM((K, AW), jnp.float32),
        pltpu.VMEM((K, 16), jnp.float32),
        pltpu.VMEM((K, 16), jnp.float32),
        pltpu.VMEM((K,), jnp.int32),
        pltpu.VMEM((1, K), jnp.int32),
        pltpu.SemaphoreType.DMA,
        pltpu.SemaphoreType.DMA,
        pltpu.SemaphoreType.DMA,
    ],
  )


def _proj_body(x_ref, w_ref, ps_ref, pd_ref, h_ref, as_ref, ad_ref):
    h = jnp.dot(x_ref[...], w_ref[...], preferred_element_type=jnp.float32)
    h_ref[...] = h
    as_ref[...] = jnp.dot(h, ps_ref[...], preferred_element_type=jnp.float32)
    ad_ref[...] = jnp.dot(h, pd_ref[...], preferred_element_type=jnp.float32)


def _proj(x, w, ps, pd):
    nb = 10
    rb = N // nb
    return pl.pallas_call(
        _proj_body,
        grid=(nb,),
        in_specs=[
            pl.BlockSpec((rb, D), lambda i: (i, 0)),
            pl.BlockSpec((D, HID), lambda i: (0, 0)),
            pl.BlockSpec((HID, 16), lambda i: (0, 0)),
            pl.BlockSpec((HID, 16), lambda i: (0, 0)),
        ],
        out_specs=[
            pl.BlockSpec((rb, HID), lambda i: (i, 0)),
            pl.BlockSpec((rb, 16), lambda i: (i, 0)),
            pl.BlockSpec((rb, 16), lambda i: (i, 0)),
        ],
        out_shape=[
            jax.ShapeDtypeStruct((N, HID), jnp.float32),
            jax.ShapeDtypeStruct((N, 16), jnp.float32),
            jax.ShapeDtypeStruct((N, 16), jnp.float32),
        ],
    )(x, w, ps, pd)


def _normalize(a0, a1, scale, shift):
    num = (a0[:, :HID] + a1[:, :HID]).reshape(-1, H, C)
    den = a0[:, HID:HID + H] + a1[:, HID:HID + H]
    o = (num / (den[:, :, None] + 1e-16)).reshape(-1, HID)
    return jnp.maximum(o * scale + shift, 0.0)


def _comb_proj_body(a0_ref, a1_ref, sc_ref, sh_ref, w_ref, ps_ref, pd_ref,
                    h_ref, as_ref, ad_ref):
    o = _normalize(a0_ref[...], a1_ref[...], sc_ref[...], sh_ref[...])
    h = jnp.dot(o, w_ref[...], preferred_element_type=jnp.float32)
    h_ref[...] = h
    as_ref[...] = jnp.dot(h, ps_ref[...], preferred_element_type=jnp.float32)
    ad_ref[...] = jnp.dot(h, pd_ref[...], preferred_element_type=jnp.float32)


def _comb_proj(acc0, acc1, scale, shift, w, ps, pd):
    nb = 10
    rb = N // nb
    return pl.pallas_call(
        _comb_proj_body,
        grid=(nb,),
        in_specs=[
            pl.BlockSpec((rb, AW), lambda i: (i, 0)),
            pl.BlockSpec((rb, AW), lambda i: (i, 0)),
            pl.BlockSpec((1, HID), lambda i: (0, 0)),
            pl.BlockSpec((1, HID), lambda i: (0, 0)),
            pl.BlockSpec((HID, HID), lambda i: (0, 0)),
            pl.BlockSpec((HID, 16), lambda i: (0, 0)),
            pl.BlockSpec((HID, 16), lambda i: (0, 0)),
        ],
        out_specs=[
            pl.BlockSpec((rb, HID), lambda i: (i, 0)),
            pl.BlockSpec((rb, 16), lambda i: (i, 0)),
            pl.BlockSpec((rb, 16), lambda i: (i, 0)),
        ],
        out_shape=[
            jax.ShapeDtypeStruct((N, HID), jnp.float32),
            jax.ShapeDtypeStruct((N, 16), jnp.float32),
            jax.ShapeDtypeStruct((N, 16), jnp.float32),
        ],
    )(acc0, acc1, scale, shift, w, ps, pd)


def _comb_pool_body(a0_ref, a1_ref, sc_ref, sh_ref, b_ref, p_ref):
    i = pl.program_id(0)
    o = _normalize(a0_ref[...], a1_ref[...], sc_ref[...], sh_ref[...])
    b = b_ref[...].reshape(1, -1)
    m = (b == lax.broadcasted_iota(jnp.int32, (G, b.shape[1]), 0))
    part = jnp.dot(m.astype(jnp.float32), o,
                   preferred_element_type=jnp.float32)

    @pl.when(i == 0)
    def _():
        p_ref[...] = jnp.zeros_like(p_ref)
    p_ref[...] += part


def _comb_pool(acc0, acc1, scale, shift, batch):
    nb = 10
    rb = N // nb
    return pl.pallas_call(
        _comb_pool_body,
        grid=(nb,),
        in_specs=[
            pl.BlockSpec((rb, AW), lambda i: (i, 0)),
            pl.BlockSpec((rb, AW), lambda i: (i, 0)),
            pl.BlockSpec((1, HID), lambda i: (0, 0)),
            pl.BlockSpec((1, HID), lambda i: (0, 0)),
            pl.BlockSpec((1, 1, rb), lambda i: (i, 0, 0)),
        ],
        out_specs=pl.BlockSpec((G, HID), lambda i: (0, 0)),
        out_shape=jax.ShapeDtypeStruct((G, HID), jnp.float32),
    )(acc0, acc1, scale, shift, batch)


def _fc_body(p_ref, gl_ref, bl_ref, w_ref, b_ref, o_ref):
    p = p_ref[...] * (gl_ref[...] * BNS) + bl_ref[...]
    o_ref[...] = jnp.dot(p, w_ref[...],
                         preferred_element_type=jnp.float32) + b_ref[...]


def _fc(pooled, gl, bl, wfc, bfc):
    return pl.pallas_call(
        _fc_body,
        out_shape=jax.ShapeDtypeStruct((G, wfc.shape[1]), jnp.float32),
    )(pooled, gl.reshape(1, HID), bl.reshape(1, HID), wfc, bfc[None, :])


def _att_proj(a):
    return (a[:, :, None] * jnp.eye(H, 16, dtype=jnp.float32)[:, None, :]
            ).reshape(HID, 16)


def _layer_edges(h, as_t, ad_t, src_pad, dst_pad):
    zrow = jnp.zeros((1, HID), jnp.float32)
    z16 = jnp.zeros((1, 16), jnp.float32)
    acc = _sc_edge_agg_fn()(jnp.concatenate([h, zrow], axis=0),
                       jnp.concatenate([as_t, z16], axis=0),
                       jnp.concatenate([ad_t, z16], axis=0),
                       src_pad, dst_pad)
    return acc[0, :N, :], acc[1, :N, :]


def kernel(x, edge_index, batch, W0, a_src0, a_dst0, b0, g0, be0, W1,
           a_src1, a_dst1, b1, g1, be1, gl, bl, Wfc, bfc):
    idt = edge_index.dtype
    loop = jnp.arange(N, dtype=idt)
    padv = jnp.full((E_PAD - E - N,), N, dtype=idt)
    src_pad = jnp.concatenate([edge_index[0], loop, padv]).astype(jnp.int32)
    dst_pad = jnp.concatenate([edge_index[1], loop, padv]).astype(jnp.int32)

    sc0 = (g0 * BNS).reshape(1, HID)
    sh0 = (be0 + b0 * g0 * BNS).reshape(1, HID)
    sc1 = (g1 * BNS).reshape(1, HID)
    sh1 = (be1 + b1 * g1 * BNS).reshape(1, HID)

    h0, as0, ad0 = _proj(x, W0, _att_proj(a_src0), _att_proj(a_dst0))
    acc00, acc01 = _layer_edges(h0, as0, ad0, src_pad, dst_pad)
    h1, as1, ad1 = _comb_proj(acc00, acc01, sc0, sh0, W1,
                              _att_proj(a_src1), _att_proj(a_dst1))
    acc10, acc11 = _layer_edges(h1, as1, ad1, src_pad, dst_pad)
    pooled = _comb_pool(acc10, acc11, sc1, sh1,
                        batch.astype(jnp.int32).reshape(10, 1, N // 10))
    return _fc(pooled, gl, bl, Wfc, bfc)

# --- scband reference (transcript-rebuilt; emitter-appended) ---
"""Pipeline reference for scband-gat-58119497450254 (READ-ONLY COPY).

The authoritative reference and input builder live on the scoring server;
editing this copy changes nothing except your own understanding.
"""

import jax, jax.numpy as jnp
import numpy as np

N = 10000
E = 320000
D = 128
H = 4
C = 32
HID = 128
LAT = 64
G = 64


def setup_inputs(seed: int = 0) -> dict:
    key = jax.random.key(seed)
    ks = jax.random.split(key, 24)
    inp = {}
    inp["x"] = jax.random.normal(ks[0], (N, D), dtype=jnp.float32)
    inp["edge_index"] = jax.random.randint(ks[1], (2, E), 0, N)
    inp["batch"] = jnp.sort(jax.random.randint(ks[2], (N,), 0, G))

    def glorot(k, shape):
        return jax.random.normal(k, shape, dtype=jnp.float32) * (1.0 / np.sqrt(shape[0]))

    # GATConv layer 0: in D -> heads H, per-head C (concat -> HID)
    inp["W0"] = glorot(ks[3], (D, HID))
    inp["a_src0"] = jax.random.normal(ks[4], (H, C), dtype=jnp.float32) * 0.1
    inp["a_dst0"] = jax.random.normal(ks[5], (H, C), dtype=jnp.float32) * 0.1
    inp["b0"] = jnp.zeros((HID,), dtype=jnp.float32)
    inp["g0"] = jnp.ones((HID,), dtype=jnp.float32)
    inp["be0"] = jnp.zeros((HID,), dtype=jnp.float32)
    # GATConv layer 1: HID -> HID
    inp["W1"] = glorot(ks[6], (HID, HID))
    inp["a_src1"] = jax.random.normal(ks[7], (H, C), dtype=jnp.float32) * 0.1
    inp["a_dst1"] = jax.random.normal(ks[8], (H, C), dtype=jnp.float32) * 0.1
    inp["b1"] = jnp.zeros((HID,), dtype=jnp.float32)
    inp["g1"] = jnp.ones((HID,), dtype=jnp.float32)
    inp["be1"] = jnp.zeros((HID,), dtype=jnp.float32)
    # last BN + fc
    inp["gl"] = jnp.ones((HID,), dtype=jnp.float32)
    inp["bl"] = jnp.zeros((HID,), dtype=jnp.float32)
    inp["Wfc"] = glorot(ks[9], (HID, LAT))
    inp["bfc"] = jnp.zeros((LAT,), dtype=jnp.float32)
    return inp


def gat_conv(x, edge_index, W, a_s, a_d, b):
    n = x.shape[0]
    loop = jnp.arange(n, dtype=edge_index.dtype)
    src = jnp.concatenate([edge_index[0], loop])
    dst = jnp.concatenate([edge_index[1], loop])
    h = (x @ W).reshape(n, H, C)
    alpha_s = jnp.sum(h * a_s[None, :, :], axis=-1)  # [N, H]
    alpha_d = jnp.sum(h * a_d[None, :, :], axis=-1)  # [N, H]
    e = jax.nn.leaky_relu(alpha_s[src] + alpha_d[dst], negative_slope=0.2)  # [E', H]
    emax = jax.ops.segment_max(e, dst, num_segments=n)
    emax = jax.lax.stop_gradient(jnp.where(jnp.isfinite(emax), emax, 0.0))
    ex = jnp.exp(e - emax[dst])
    den = jax.ops.segment_sum(ex, dst, num_segments=n)
    alpha = ex / (den[dst] + 1e-16)
    out = jax.ops.segment_sum(h[src] * alpha[:, :, None], dst, num_segments=n)
    return out.reshape(n, H * C) + b


def bn_eval(x, g, b):
    # eval-mode BatchNorm1d with fresh running stats (mean=0, var=1)
    return (x / jnp.sqrt(1.0 + 1e-5)) * g + b


def reference(x, edge_index, batch, W0, a_src0, a_dst0, b0, g0, be0, W1, a_src1, a_dst1, b1, g1, be1, gl, bl, Wfc, bfc):
    h = gat_conv(x, edge_index, W0, a_src0, a_dst0, b0)
    h = jax.nn.relu(bn_eval(h, g0, be0))
    # dropout: eval mode -> identity
    h = gat_conv(h, edge_index, W1, a_src1, a_dst1, b1)
    h = jax.nn.relu(bn_eval(h, g1, be1))
    pooled = jax.ops.segment_sum(h, batch, num_segments=G)  # global_add_pool
    pooled = bn_eval(pooled, gl, bl)
    return pooled @ Wfc + bfc

if __name__ == "__main__":
    import jax
    _d = setup_inputs()
    print(jax.jit(kernel)(*tuple(_d.values())))

</pallas_src>

<mosaic_0001>
#map = affine_map<(d0, d1) -> (0, 0)>
#map1 = affine_map<(d0, d1) -> (0)>
#map2 = affine_map<(d0, d1) -> (0, 0, 0)>
module attributes {stable_mosaic.version = 14 : i64} {
  func.func @_sc_edge_body(%arg0: i32, %arg1: i32, %arg2: memref<10001x128xf32, #tpu.memory_space<hbm>>, %arg3: memref<10001x16xf32, #tpu.memory_space<hbm>>, %arg4: memref<10001x16xf32, #tpu.memory_space<hbm>>, %arg5: memref<331776xi32, #tpu.memory_space<hbm>>, %arg6: memref<331776xi32, #tpu.memory_space<hbm>>, %arg7: memref<2x10016x144xf32, #tpu.memory_space<hbm>>, %arg8: memref<10016x144xf32, #tpu.memory_space<vmem_shared>>, %arg9: memref<128x128xf32, #tpu.memory_space<vmem>>, %arg10: memref<128x144xf32, #tpu.memory_space<vmem>>, %arg11: memref<128x16xf32, #tpu.memory_space<vmem>>, %arg12: memref<128x16xf32, #tpu.memory_space<vmem>>, %arg13: memref<128xi32, #tpu.memory_space<vmem>>, %arg14: memref<1x128xi32, #tpu.memory_space<vmem>>, %arg15: memref<!tpu.dma_semaphore, #tpu.memory_space<semaphore_mem>>, %arg16: memref<!tpu.dma_semaphore, #tpu.memory_space<semaphore_mem>>, %arg17: memref<!tpu.dma_semaphore, #tpu.memory_space<semaphore_mem>>) attributes {dimension_semantics = [#tpu.dimension_semantics<core_parallel>, #tpu.dimension_semantics<subcore_parallel>], iteration_bounds = array<i64: 2, 16>, scalar_prefetch = 0 : i64, scratch_operands = 10 : i64, tpu.core_type = #tpu.core_type<sc_vector_subcore>, window_params = [{transform_indices = #map}, {transform_indices = #map}, {transform_indices = #map}, {transform_indices = #map1}, {transform_indices = #map1}, {transform_indices = #map2}]} {
    %mul3A = arith.constant 2 : i32
    %mul3A_0 = arith.muli %arg1, %mul3A : i32
    %add3A = arith.addi %mul3A_0, %arg0 : i32
    %scan3A = arith.constant 0 : i32
    %scan3A_1 = arith.constant 0 : i32
    %scan3A_2 = arith.constant 128 : i32
    %scan3A_3 = arith.addi %scan3A_1, %scan3A_2 : i32
    %scan3A_4 = arith.constant 1 : i32
    scf.for %scan3A_46 = %scan3A_1 to %scan3A_3 step %scan3A_4  : i32 {
      %broadcast_in_dim3A = arith.constant 0.000000e+00 : f32
      %broadcast_in_dim3A_47 = vector.broadcast %broadcast_in_dim3A : f32 to vector<16xf32>
      %swap3A = arith.index_cast %scan3A_46 : i32 to index
      %swap3A_48 = arith.constant 0 : index
      %swap3A_49 = tpu.vector_load %arg10[%swap3A, %swap3A_48] {strides = array<i32>} : memref<128x144xf32, #tpu.memory_space<vmem>>, vector<1x16xf32>,
      %swap3A_50 = vector.shape_cast %swap3A_49 : vector<1x16xf32> to vector<16xf32>
      %swap3A_51 = vector.shape_cast %broadcast_in_dim3A_47 : vector<16xf32> to vector<1x16xf32>
      tpu.vector_store %arg10[%swap3A, %swap3A_48], %swap3A_51 {strides = array<i32>} : memref<128x144xf32, #tpu.memory_space<vmem>>, vector<1x16xf32>,
      %broadcast_in_dim3A_52 = arith.constant 0.000000e+00 : f32
      %broadcast_in_dim3A_53 = vector.broadcast %broadcast_in_dim3A_52 : f32 to vector<16xf32>
      %swap3A_54 = arith.index_cast %scan3A_46 : i32 to index
      %swap3A_55 = arith.constant 16 : index
      %swap3A_56 = tpu.vector_load %arg10[%swap3A_54, %swap3A_55] {strides = array<i32>} : memref<128x144xf32, #tpu.memory_space<vmem>>, vector<1x16xf32>,
      %swap3A_57 = vector.shape_cast %swap3A_56 : vector<1x16xf32> to vector<16xf32>
      %swap3A_58 = vector.shape_cast %broadcast_in_dim3A_53 : vector<16xf32> to vector<1x16xf32>
      tpu.vector_store %arg10[%swap3A_54, %swap3A_55], %swap3A_58 {strides = array<i32>} : memref<128x144xf32, #tpu.memory_space<vmem>>, vector<1x16xf32>,
      %broadcast_in_dim3A_59 = arith.constant 0.000000e+00 : f32
      %broadcast_in_dim3A_60 = vector.broadcast %broadcast_in_dim3A_59 : f32 to vector<16xf32>
      %swap3A_61 = arith.index_cast %scan3A_46 : i32 to index
      %swap3A_62 = arith.constant 32 : index
      %swap3A_63 = tpu.vector_load %arg10[%swap3A_61, %swap3A_62] {strides = array<i32>} : memref<128x144xf32, #tpu.memory_space<vmem>>, vector<1x16xf32>,
      %swap3A_64 = vector.shape_cast %swap3A_63 : vector<1x16xf32> to vector<16xf32>
      %swap3A_65 = vector.shape_cast %broadcast_in_dim3A_60 : vector<16xf32> to vector<1x16xf32>
      tpu.vector_store %arg10[%swap3A_61, %swap3A_62], %swap3A_65 {strides = array<i32>} : memref<128x144xf32, #tpu.memory_space<vmem>>, vector<1x16xf32>,
      %broadcast_in_dim3A_66 = arith.constant 0.000000e+00 : f32
      %broadcast_in_dim3A_67 = vector.broadcast %broadcast_in_dim3A_66 : f32 to vector<16xf32>
      %swap3A_68 = arith.index_cast %scan3A_46 : i32 to index
      %swap3A_69 = arith.constant 48 : index
      %swap3A_70 = tpu.vector_load %arg10[%swap3A_68, %swap3A_69] {strides = array<i32>} : memref<128x144xf32, #tpu.memory_space<vmem>>, vector<1x16xf32>,
      %swap3A_71 = vector.shape_cast %swap3A_70 : vector<1x16xf32> to vector<16xf32>
      %swap3A_72 = vector.shape_cast %broadcast_in_dim3A_67 : vector<16xf32> to vector<1x16xf32>
      tpu.vector_store %arg10[%swap3A_68, %swap3A_69], %swap3A_72 {strides = array<i32>} : memref<128x144xf32, #tpu.memory_space<vmem>>, vector<1x16xf32>,
      %broadcast_in_dim3A_73 = arith.constant 0.000000e+00 : f32
      %broadcast_in_dim3A_74 = vector.broadcast %broadcast_in_dim3A_73 : f32 to vector<16xf32>
      %swap3A_75 = arith.index_cast %scan3A_46 : i32 to index
      %swap3A_76 = arith.constant 64 : index
      %swap3A_77 = tpu.vector_load %arg10[%swap3A_75, %swap3A_76] {strides = array<i32>} : memref<128x144xf32, #tpu.memory_space<vmem>>, vector<1x16xf32>,
      %swap3A_78 = vector.shape_cast %swap3A_77 : vector<1x16xf32> to vector<16xf32>
      %swap3A_79 = vector.shape_cast %broadcast_in_dim3A_74 : vector<16xf32> to vector<1x16xf32>
      tpu.vector_store %arg10[%swap3A_75, %swap3A_76], %swap3A_79 {strides = array<i32>} : memref<128x144xf32, #tpu.memory_space<vmem>>, vector<1x16xf32>,
      %broadcast_in_dim3A_80 = arith.constant 0.000000e+00 : f32
      %broadcast_in_dim3A_81 = vector.broadcast %broadcast_in_dim3A_80 : f32 to vector<16xf32>
      %swap3A_82 = arith.index_cast %scan3A_46 : i32 to index
      %swap3A_83 = arith.constant 80 : index
      %swap3A_84 = tpu.vector_load %arg10[%swap3A_82, %swap3A_83] {strides = array<i32>} : memref<128x144xf32, #tpu.memory_space<vmem>>, vector<1x16xf32>,
      %swap3A_85 = vector.shape_cast %swap3A_84 : vector<1x16xf32> to vector<16xf32>
      %swap3A_86 = vector.shape_cast %broadcast_in_dim3A_81 : vector<16xf32> to vector<1x16xf32>
      tpu.vector_store %arg10[%swap3A_82, %swap3A_83], %swap3A_86 {strides = array<i32>} : memref<128x144xf32, #tpu.memory_space<vmem>>, vector<1x16xf32>,
      %broadcast_in_dim3A_87 = arith.constant 0.000000e+00 : f32
      %broadcast_in_dim3A_88 = vector.broadcast %broadcast_in_dim3A_87 : f32 to vector<16xf32>
      %swap3A_89 = arith.index_cast %scan3A_46 : i32 to index
      %swap3A_90 = arith.constant 96 : index
      %swap3A_91 = tpu.vector_load %arg10[%swap3A_89, %swap3A_90] {strides = array<i32>} : memref<128x144xf32, #tpu.memory_space<vmem>>, vector<1x16xf32>,
      %swap3A_92 = vector.shape_cast %swap3A_91 : vector<1x16xf32> to vector<16xf32>
      %swap3A_93 = vector.shape_cast %broadcast_in_dim3A_88 : vector<16xf32> to vector<1x16xf32>
      tpu.vector_store %arg10[%swap3A_89, %swap3A_90], %swap3A_93 {strides = array<i32>} : memref<128x144xf32, #tpu.memory_space<vmem>>, vector<1x16xf32>,
      %broadcast_in_dim3A_94 = arith.constant 0.000000e+00 : f32
      %broadcast_in_dim3A_95 = vector.broadcast %broadcast_in_dim3A_94 : f32 to vector<16xf32>
      %swap3A_96 = arith.index_cast %scan3A_46 : i32 to index
      %swap3A_97 = arith.constant 112 : index
      %swap3A_98 = tpu.vector_load %arg10[%swap3A_96, %swap3A_97] {strides = array<i32>} : memref<128x144xf32, #tpu.memory_space<vmem>>, vector<1x16xf32>,
      %swap3A_99 = vector.shape_cast %swap3A_98 : vector<1x16xf32> to vector<16xf32>
      %swap3A_100 = vector.shape_cast %broadcast_in_dim3A_95 : vector<16xf32> to vector<1x16xf32>
      tpu.vector_store %arg10[%swap3A_96, %swap3A_97], %swap3A_100 {strides = array<i32>} : memref<128x144xf32, #tpu.memory_space<vmem>>, vector<1x16xf32>,
      %broadcast_in_dim3A_101 = arith.constant 0.000000e+00 : f32
      %broadcast_in_dim3A_102 = vector.broadcast %broadcast_in_dim3A_101 : f32 to vector<16xf32>
      %swap3A_103 = arith.index_cast %scan3A_46 : i32 to index
      %swap3A_104 = arith.constant 128 : index
      %swap3A_105 = tpu.vector_load %arg10[%swap3A_103, %swap3A_104] {strides = array<i32>} : memref<128x144xf32, #tpu.memory_space<vmem>>, vector<1x16xf32>,
      %swap3A_106 = vector.shape_cast %swap3A_105 : vector<1x16xf32> to vector<16xf32>
      %swap3A_107 = vector.shape_cast %broadcast_in_dim3A_102 : vector<16xf32> to vector<1x16xf32>
      tpu.vector_store %arg10[%swap3A_103, %swap3A_104], %swap3A_107 {strides = array<i32>} : memref<128x144xf32, #tpu.memory_space<vmem>>, vector<1x16xf32>,
    }
    %scan3A_5 = arith.constant 128 : i32
    %mul3A_6 = arith.constant 626 : i32
    %mul3A_7 = arith.muli %arg1, %mul3A_6 : i32
    %min3A = arith.constant 9376 : i32
    %min3A_8 = arith.minsi %mul3A_7, %min3A : i32
    %add3A_9 = arith.constant 0 : i32
    %add3A_10 = arith.addi %min3A_8, %add3A_9 : i32
    "tpu.region"() ({
      %run_scoped3A = tpu.sem_alloc : memref<!tpu.dma_semaphore, #tpu.memory_space<semaphore_mem>>
      %dma_start3A = arith.constant 0 : i32
      %dma_start3A_46 = tpu.memref_slice %arg8[%add3A_10, %dma_start3A] : memref<10016x144xf32, #tpu.memory_space<vmem_shared>> -> memref<128x144xf32, #tpu.memory_space<vmem_shared>>
      %dma_start3A_47 = arith.constant 0 : i32
      %dma_start3A_48 = tpu.memref_slice %arg8[%add3A_10, %dma_start3A_47] : memref<10016x144xf32, #tpu.memory_space<vmem_shared>> -> memref<128x144xf32, #tpu.memory_space<vmem_shared>>
      tpu.enqueue_dma source(%arg10 : memref<128x144xf32, #tpu.memory_space<vmem>>) target(%dma_start3A_48 : memref<128x144xf32, #tpu.memory_space<vmem_shared>>) target_semaphore(%run_scoped3A : memref<!tpu.dma_semaphore, #tpu.memory_space<semaphore_mem>>)
      %dma_wait3A = arith.constant 0 : i32
      %dma_wait3A_49 = tpu.memref_slice %arg8[%add3A_10, %dma_wait3A] : memref<10016x144xf32, #tpu.memory_space<vmem_shared>> -> memref<128x144xf32, #tpu.memory_space<vmem_shared>>
      %dma_wait3A_50 = arith.constant 0 : i32
      %dma_wait3A_51 = tpu.memref_slice %arg8[%add3A_10, %dma_wait3A_50] : memref<10016x144xf32, #tpu.memory_space<vmem_shared>> -> memref<128x144xf32, #tpu.memory_space<vmem_shared>>
      tpu.wait_dma2 semaphore(%run_scoped3A : memref<!tpu.dma_semaphore, #tpu.memory_space<semaphore_mem>>) src(%arg10 : memref<128x144xf32, #tpu.memory_space<vmem>>) dst(%dma_wait3A_51 : memref<128x144xf32, #tpu.memory_space<vmem_shared>>)
      tpu.yield
    }) : () -> ()
    %add3A_11 = arith.constant 128 : i32
    %add3A_12 = arith.addi %min3A_8, %add3A_11 : i32
    "tpu.region"() ({
      %run_scoped3A = tpu.sem_alloc : memref<!tpu.dma_semaphore, #tpu.memory_space<semaphore_mem>>
      %dma_start3A = arith.constant 0 : i32
      %dma_start3A_46 = tpu.memref_slice %arg8[%add3A_12, %dma_start3A] : memref<10016x144xf32, #tpu.memory_space<vmem_shared>> -> memref<128x144xf32, #tpu.memory_space<vmem_shared>>
      %dma_start3A_47 = arith.constant 0 : i32
      %dma_start3A_48 = tpu.memref_slice %arg8[%add3A_12, %dma_start3A_47] : memref<10016x144xf32, #tpu.memory_space<vmem_shared>> -> memref<128x144xf32, #tpu.memory_space<vmem_shared>>
      tpu.enqueue_dma source(%arg10 : memref<128x144xf32, #tpu.memory_space<vmem>>) target(%dma_start3A_48 : memref<128x144xf32, #tpu.memory_space<vmem_shared>>) target_semaphore(%run_scoped3A : memref<!tpu.dma_semaphore, #tpu.memory_space<semaphore_mem>>)
      %dma_wait3A = arith.constant 0 : i32
      %dma_wait3A_49 = tpu.memref_slice %arg8[%add3A_12, %dma_wait3A] : memref<10016x144xf32, #tpu.memory_space<vmem_shared>> -> memref<128x144xf32, #tpu.memory_space<vmem_shared>>
      %dma_wait3A_50 = arith.constant 0 : i32
      %dma_wait3A_51 = tpu.memref_slice %arg8[%add3A_12, %dma_wait3A_50] : memref<10016x144xf32, #tpu.memory_space<vmem_shared>> -> memref<128x144xf32, #tpu.memory_space<vmem_shared>>
      tpu.wait_dma2 semaphore(%run_scoped3A : memref<!tpu.dma_semaphore, #tpu.memory_space<semaphore_mem>>) src(%arg10 : memref<128x144xf32, #tpu.memory_space<vmem>>) dst(%dma_wait3A_51 : memref<128x144xf32, #tpu.memory_space<vmem_shared>>)
      tpu.yield
    }) : () -> ()
    %add3A_13 = arith.constant 256 : i32
    %add3A_14 = arith.addi %min3A_8, %add3A_13 : i32
    "tpu.region"() ({
      %run_scoped3A = tpu.sem_alloc : memref<!tpu.dma_semaphore, #tpu.memory_space<semaphore_mem>>
      %dma_start3A = arith.constant 0 : i32
      %dma_start3A_46 = tpu.memref_slice %arg8[%add3A_14, %dma_start3A] : memref<10016x144xf32, #tpu.memory_space<vmem_shared>> -> memref<128x144xf32, #tpu.memory_space<vmem_shared>>
      %dma_start3A_47 = arith.constant 0 : i32
      %dma_start3A_48 = tpu.memref_slice %arg8[%add3A_14, %dma_start3A_47] : memref<10016x144xf32, #tpu.memory_space<vmem_shared>> -> memref<128x144xf32, #tpu.memory_space<vmem_shared>>
      tpu.enqueue_dma source(%arg10 : memref<128x144xf32, #tpu.memory_space<vmem>>) target(%dma_start3A_48 : memref<128x144xf32, #tpu.memory_space<vmem_shared>>) target_semaphore(%run_scoped3A : memref<!tpu.dma_semaphore, #tpu.memory_space<semaphore_mem>>)
      %dma_wait3A = arith.constant 0 : i32
      %dma_wait3A_49 = tpu.memref_slice %arg8[%add3A_14, %dma_wait3A] : memref<10016x144xf32, #tpu.memory_space<vmem_shared>> -> memref<128x144xf32, #tpu.memory_space<vmem_shared>>
      %dma_wait3A_50 = arith.constant 0 : i32
      %dma_wait3A_51 = tpu.memref_slice %arg8[%add3A_14, %dma_wait3A_50] : memref<10016x144xf32, #tpu.memory_space<vmem_shared>> -> memref<128x144xf32, #tpu.memory_space<vmem_shared>>
      tpu.wait_dma2 semaphore(%run_scoped3A : memref<!tpu.dma_semaphore, #tpu.memory_space<semaphore_mem>>) src(%arg10 : memref<128x144xf32, #tpu.memory_space<vmem>>) dst(%dma_wait3A_51 : memref<128x144xf32, #tpu.memory_space<vmem_shared>>)
      tpu.yield
    }) : () -> ()
    %add3A_15 = arith.constant 384 : i32
    %add3A_16 = arith.addi %min3A_8, %add3A_15 : i32
    "tpu.region"() ({
      %run_scoped3A = tpu.sem_alloc : memref<!tpu.dma_semaphore, #tpu.memory_space<semaphore_mem>>
      %dma_start3A = arith.constant 0 : i32
      %dma_start3A_46 = tpu.memref_slice %arg8[%add3A_16, %dma_start3A] : memref<10016x144xf32, #tpu.memory_space<vmem_shared>> -> memref<128x144xf32, #tpu.memory_space<vmem_shared>>
      %dma_start3A_47 = arith.constant 0 : i32
      %dma_start3A_48 = tpu.memref_slice %arg8[%add3A_16, %dma_start3A_47] : memref<10016x144xf32, #tpu.memory_space<vmem_shared>> -> memref<128x144xf32, #tpu.memory_space<vmem_shared>>
      tpu.enqueue_dma source(%arg10 : memref<128x144xf32, #tpu.memory_space<vmem>>) target(%dma_start3A_48 : memref<128x144xf32, #tpu.memory_space<vmem_shared>>) target_semaphore(%run_scoped3A : memref<!tpu.dma_semaphore, #tpu.memory_space<semaphore_mem>>)
      %dma_wait3A = arith.constant 0 : i32
      %dma_wait3A_49 = tpu.memref_slice %arg8[%add3A_16, %dma_wait3A] : memref<10016x144xf32, #tpu.memory_space<vmem_shared>> -> memref<128x144xf32, #tpu.memory_space<vmem_shared>>
      %dma_wait3A_50 = arith.constant 0 : i32
      %dma_wait3A_51 = tpu.memref_slice %arg8[%add3A_16, %dma_wait3A_50] : memref<10016x144xf32, #tpu.memory_space<vmem_shared>> -> memref<128x144xf32, #tpu.memory_space<vmem_shared>>
      tpu.wait_dma2 semaphore(%run_scoped3A : memref<!tpu.dma_semaphore, #tpu.memory_space<semaphore_mem>>) src(%arg10 : memref<128x144xf32, #tpu.memory_space<vmem>>) dst(%dma_wait3A_51 : memref<128x144xf32, #tpu.memory_space<vmem_shared>>)
      tpu.yield
    }) : () -> ()
    %add3A_17 = arith.constant 512 : i32
    %add3A_18 = arith.addi %min3A_8, %add3A_17 : i32
    "tpu.region"() ({
      %run_scoped3A = tpu.sem_alloc : memref<!tpu.dma_semaphore, #tpu.memory_space<semaphore_mem>>
      %dma_start3A = arith.constant 0 : i32
      %dma_start3A_46 = tpu.memref_slice %arg8[%add3A_18, %dma_start3A] : memref<10016x144xf32, #tpu.memory_space<vmem_shared>> -> memref<128x144xf32, #tpu.memory_space<vmem_shared>>
      %dma_start3A_47 = arith.constant 0 : i32
      %dma_start3A_48 = tpu.memref_slice %arg8[%add3A_18, %dma_start3A_47] : memref<10016x144xf32, #tpu.memory_space<vmem_shared>> -> memref<128x144xf32, #tpu.memory_space<vmem_shared>>
      tpu.enqueue_dma source(%arg10 : memref<128x144xf32, #tpu.memory_space<vmem>>) target(%dma_start3A_48 : memref<128x144xf32, #tpu.memory_space<vmem_shared>>) target_semaphore(%run_scoped3A : memref<!tpu.dma_semaphore, #tpu.memory_space<semaphore_mem>>)
      %dma_wait3A = arith.constant 0 : i32
      %dma_wait3A_49 = tpu.memref_slice %arg8[%add3A_18, %dma_wait3A] : memref<10016x144xf32, #tpu.memory_space<vmem_shared>> -> memref<128x144xf32, #tpu.memory_space<vmem_shared>>
      %dma_wait3A_50 = arith.constant 0 : i32
      %dma_wait3A_51 = tpu.memref_slice %arg8[%add3A_18, %dma_wait3A_50] : memref<10016x144xf32, #tpu.memory_space<vmem_shared>> -> memref<128x144xf32, #tpu.memory_space<vmem_shared>>
      tpu.wait_dma2 semaphore(%run_scoped3A : memref<!tpu.dma_semaphore, #tpu.memory_space<semaphore_mem>>) src(%arg10 : memref<128x144xf32, #tpu.memory_space<vmem>>) dst(%dma_wait3A_51 : memref<128x144xf32, #tpu.memory_space<vmem_shared>>)
      tpu.yield
    }) : () -> ()
    %barrier3A = arith.constant 0 : index
    tpu.barrier barrier_id(%barrier3A)
    %iota3A = tpu.iota {dimensions = array<i32: 0>} : vector<16xi32>
    %scan3A_19 = arith.constant 0 : i32
    %scan3A_20 = arith.constant 0 : i32
    %scan3A_21 = arith.constant 81 : i32
    %scan3A_22 = arith.addi %scan3A_20, %scan3A_21 : i32
    %scan3A_23 = arith.constant 1 : i32
    scf.for %scan3A_46 = %scan3A_20 to %scan3A_22 step %scan3A_23  : i32 {
      %mul3A_47 = arith.constant 10368 : i32
      %mul3A_48 = arith.muli %add3A, %mul3A_47 : i32
      %mul3A_49 = arith.constant 128 : i32
      %mul3A_50 = arith.muli %scan3A_46, %mul3A_49 : i32
      %add3A_51 = arith.addi %mul3A_48, %mul3A_50 : i32
      "tpu.region"() ({
        %run_scoped3A_83 = tpu.sem_alloc : memref<!tpu.dma_semaphore, #tpu.memory_space<semaphore_mem>>
        %dma_start3A_84 = tpu.memref_slice %arg5[%add3A_51] : memref<331776xi32, #tpu.memory_space<hbm>> -> memref<128xi32, #tpu.memory_space<hbm>>
        %dma_start3A_85 = tpu.memref_slice %arg5[%add3A_51] : memref<331776xi32, #tpu.memory_space<hbm>> -> memref<128xi32, #tpu.memory_space<hbm>>
        tpu.enqueue_dma source(%dma_start3A_85 : memref<128xi32, #tpu.memory_space<hbm>>) target(%arg13 : memref<128xi32, #tpu.memory_space<vmem>>) target_semaphore(%run_scoped3A_83 : memref<!tpu.dma_semaphore, #tpu.memory_space<semaphore_mem>>)
        %dma_wait3A_86 = tpu.memref_slice %arg5[%add3A_51] : memref<331776xi32, #tpu.memory_space<hbm>> -> memref<128xi32, #tpu.memory_space<hbm>>
        %dma_wait3A_87 = tpu.memref_slice %arg5[%add3A_51] : memref<331776xi32, #tpu.memory_space<hbm>> -> memref<128xi32, #tpu.memory_space<hbm>>
        tpu.wait_dma2 semaphore(%run_scoped3A_83 : memref<!tpu.dma_semaphore, #tpu.memory_space<semaphore_mem>>) src(%dma_wait3A_87 : memref<128xi32, #tpu.memory_space<hbm>>) dst(%arg13 : memref<128xi32, #tpu.memory_space<vmem>>)
        tpu.yield
      }) : () -> ()
      %run_scoped3A = arith.constant 0 : i32
      "tpu.region"() ({
        %run_scoped3A_83 = tpu.sem_alloc : memref<!tpu.dma_semaphore, #tpu.memory_space<semaphore_mem>>
        %dma_start3A_84 = arith.constant 0 : i32
        %dma_start3A_85 = tpu.memref_slice %arg14[%run_scoped3A, %dma_start3A_84] : memref<1x128xi32, #tpu.memory_space<vmem>> -> memref<1x128xi32, #tpu.memory_space<vmem>>
        %dma_start3A_86 = tpu.memref_squeeze %dma_start3A_85 : memref<1x128xi32, #tpu.memory_space<vmem>> -> memref<128xi32, #tpu.memory_space<vmem>>
        %dma_start3A_87 = tpu.memref_slice %arg6[%add3A_51] : memref<331776xi32, #tpu.memory_space<hbm>> -> memref<128xi32, #tpu.memory_space<hbm>>
        %dma_start3A_88 = arith.constant 0 : i32
        %dma_start3A_89 = tpu.memref_slice %arg14[%run_scoped3A, %dma_start3A_88] : memref<1x128xi32, #tpu.memory_space<vmem>> -> memref<1x128xi32, #tpu.memory_space<vmem>>
        %dma_start3A_90 = tpu.memref_squeeze %dma_start3A_89 : memref<1x128xi32, #tpu.memory_space<vmem>> -> memref<128xi32, #tpu.memory_space<vmem>>
        %dma_start3A_91 = tpu.memref_slice %arg6[%add3A_51] : memref<331776xi32, #tpu.memory_space<hbm>> -> memref<128xi32, #tpu.memory_space<hbm>>
        tpu.enqueue_dma source(%dma_start3A_91 : memref<128xi32, #tpu.memory_space<hbm>>) target(%dma_start3A_90 : memref<128xi32, #tpu.memory_space<vmem>>) target_semaphore(%run_scoped3A_83 : memref<!tpu.dma_semaphore, #tpu.memory_space<semaphore_mem>>)
        %dma_wait3A_92 = arith.constant 0 : i32
        %dma_wait3A_93 = tpu.memref_slice %arg14[%run_scoped3A, %dma_wait3A_92] : memref<1x128xi32, #tpu.memory_space<vmem>> -> memref<1x128xi32, #tpu.memory_space<vmem>>
        %dma_wait3A_94 = tpu.memref_squeeze %dma_wait3A_93 : memref<1x128xi32, #tpu.memory_space<vmem>> -> memref<128xi32, #tpu.memory_space<vmem>>
        %dma_wait3A_95 = tpu.memref_slice %arg6[%add3A_51] : memref<331776xi32, #tpu.memory_space<hbm>> -> memref<128xi32, #tpu.memory_space<hbm>>
        %dma_wait3A_96 = arith.constant 0 : i32
        %dma_wait3A_97 = tpu.memref_slice %arg14[%run_scoped3A, %dma_wait3A_96] : memref<1x128xi32, #tpu.memory_space<vmem>> -> memref<1x128xi32, #tpu.memory_space<vmem>>
        %dma_wait3A_98 = tpu.memref_squeeze %dma_wait3A_97 : memref<1x128xi32, #tpu.memory_space<vmem>> -> memref<128xi32, #tpu.memory_space<vmem>>
        %dma_wait3A_99 = tpu.memref_slice %arg6[%add3A_51] : memref<331776xi32, #tpu.memory_space<hbm>> -> memref<128xi32, #tpu.memory_space<hbm>>
        tpu.wait_dma2 semaphore(%run_scoped3A_83 : memref<!tpu.dma_semaphore, #tpu.memory_space<semaphore_mem>>) src(%dma_wait3A_99 : memref<128xi32, #tpu.memory_space<hbm>>) dst(%dma_wait3A_98 : memref<128xi32, #tpu.memory_space<vmem>>)
        tpu.yield
      }) : () -> ()
      %dma_start3A = arith.constant 0 : i32
      %dma_start3A_52 = arith.constant 0 : i32
      %dma_start3A_53 = tpu.memref_slice %arg2[%dma_start3A, %dma_start3A_52] : memref<10001x128xf32, #tpu.memory_space<hbm>> -> memref<10001x128xf32, #tpu.memory_space<hbm>>
      tpu.enqueue_indirect_dma source(%dma_start3A_53 : memref<10001x128xf32, #tpu.memory_space<hbm>>) target(%arg9 : memref<128x128xf32, #tpu.memory_space<vmem>>) offsets(%arg13 : memref<128xi32, #tpu.memory_space<vmem>>) semaphore(%arg15 : memref<!tpu.dma_semaphore, #tpu.memory_space<semaphore_mem>>)
      %dma_start3A_54 = arith.constant 0 : i32
      %dma_start3A_55 = arith.constant 0 : i32
      %dma_start3A_56 = tpu.memref_slice %arg3[%dma_start3A_54, %dma_start3A_55] : memref<10001x16xf32, #tpu.memory_space<hbm>> -> memref<10001x16xf32, #tpu.memory_space<hbm>>
      tpu.enqueue_indirect_dma source(%dma_start3A_56 : memref<10001x16xf32, #tpu.memory_space<hbm>>) target(%arg11 : memref<128x16xf32, #tpu.memory_space<vmem>>) offsets(%arg13 : memref<128xi32, #tpu.memory_space<vmem>>) semaphore(%arg16 : memref<!tpu.dma_semaphore, #tpu.memory_space<semaphore_mem>>)
      %dma_start3A_57 = arith.constant 0 : i32
      %dma_start3A_58 = arith.constant 0 : i32
      %dma_start3A_59 = tpu.memref_slice %arg14[%dma_start3A_57, %dma_start3A_58] : memref<1x128xi32, #tpu.memory_space<vmem>> -> memref<1x128xi32, #tpu.memory_space<vmem>>
      %dma_start3A_60 = tpu.memref_squeeze %dma_start3A_59 : memref<1x128xi32, #tpu.memory_space<vmem>> -> memref<128xi32, #tpu.memory_space<vmem>>
      %dma_start3A_61 = arith.constant 0 : i32
      %dma_start3A_62 = arith.constant 0 : i32
      %dma_start3A_63 = tpu.memref_slice %arg4[%dma_start3A_61, %dma_start3A_62] : memref<10001x16xf32, #tpu.memory_space<hbm>> -> memref<10001x16xf32, #tpu.memory_space<hbm>>
      tpu.enqueue_indirect_dma source(%dma_start3A_63 : memref<10001x16xf32, #tpu.memory_space<hbm>>) target(%arg12 : memref<128x16xf32, #tpu.memory_space<vmem>>) offsets(%dma_start3A_60 : memref<128xi32, #tpu.memory_space<vmem>>) semaphore(%arg17 : memref<!tpu.dma_semaphore, #tpu.memory_space<semaphore_mem>>)
      %dma_wait3A = arith.constant 0 : i32
      %dma_wait3A_64 = arith.constant 0 : i32
      %dma_wait3A_65 = tpu.memref_slice %arg2[%dma_wait3A, %dma_wait3A_64] : memref<10001x128xf32, #tpu.memory_space<hbm>> -> memref<10001x128xf32, #tpu.memory_space<hbm>>
      tpu.wait_indirect_dma semaphore(%arg15 : memref<!tpu.dma_semaphore, #tpu.memory_space<semaphore_mem>>) src(%dma_wait3A_65 : memref<10001x128xf32, #tpu.memory_space<hbm>>) dst(%arg9 : memref<128x128xf32, #tpu.memory_space<vmem>>)
      %dma_wait3A_66 = arith.constant 0 : i32
      %dma_wait3A_67 = arith.constant 0 : i32
      %dma_wait3A_68 = tpu.memref_slice %arg3[%dma_wait3A_66, %dma_wait3A_67] : memref<10001x16xf32, #tpu.memory_space<hbm>> -> memref<10001x16xf32, #tpu.memory_space<hbm>>
      tpu.wait_indirect_dma semaphore(%arg16 : memref<!tpu.dma_semaphore, #tpu.memory_space<semaphore_mem>>) src(%dma_wait3A_68 : memref<10001x16xf32, #tpu.memory_space<hbm>>) dst(%arg11 : memref<128x16xf32, #tpu.memory_space<vmem>>)
      %dma_wait3A_69 = arith.constant 0 : i32
      %dma_wait3A_70 = arith.constant 0 : i32
      %dma_wait3A_71 = tpu.memref_slice %arg14[%dma_wait3A_69, %dma_wait3A_70] : memref<1x128xi32, #tpu.memory_space<vmem>> -> memref<1x128xi32, #tpu.memory_space<vmem>>
      %dma_wait3A_72 = tpu.memref_squeeze %dma_wait3A_71 : memref<1x128xi32, #tpu.memory_space<vmem>> -> memref<128xi32, #tpu.memory_space<vmem>>
      %dma_wait3A_73 = arith.constant 0 : i32
      %dma_wait3A_74 = arith.constant 0 : i32
      %dma_wait3A_75 = tpu.memref_slice %arg4[%dma_wait3A_73, %dma_wait3A_74] : memref<10001x16xf32, #tpu.memory_space<hbm>> -> memref<10001x16xf32, #tpu.memory_space<hbm>>
      tpu.wait_indirect_dma semaphore(%arg17 : memref<!tpu.dma_semaphore, #tpu.memory_space<semaphore_mem>>) src(%dma_wait3A_75 : memref<10001x16xf32, #tpu.memory_space<hbm>>) dst(%arg12 : memref<128x16xf32, #tpu.memory_space<vmem>>)
      %scan3A_76 = arith.constant 0 : i32
      %scan3A_77 = arith.constant 0 : i32
      %scan3A_78 = arith.constant 128 : i32
      %scan3A_79 = arith.addi %scan3A_77, %scan3A_78 : i32
      %scan3A_80 = arith.constant 1 : i32
      scf.for %scan3A_83 = %scan3A_77 to %scan3A_79 step %scan3A_80  : i32 {
        %get3A = arith.index_cast %scan3A_83 : i32 to index
        %get3A_84 = arith.constant 0 : index
        %get3A_85 = tpu.vector_load %arg11[%get3A, %get3A_84] {strides = array<i32>} : memref<128x16xf32, #tpu.memory_space<vmem>>, vector<1x16xf32>,
        %get3A_86 = vector.shape_cast %get3A_85 : vector<1x16xf32> to vector<16xf32>
        %get3A_87 = arith.index_cast %scan3A_83 : i32 to index
        %get3A_88 = arith.constant 0 : index
        %get3A_89 = tpu.vector_load %arg12[%get3A_87, %get3A_88] {strides = array<i32>} : memref<128x16xf32, #tpu.memory_space<vmem>>, vector<1x16xf32>,
        %get3A_90 = vector.shape_cast %get3A_89 : vector<1x16xf32> to vector<16xf32>
        %add3A_91 = arith.addf %get3A_86, %get3A_90 : vector<16xf32>
        %mul3A_92 = arith.constant 2.000000e-01 : f32
        %mul3A_93 = vector.broadcast %mul3A_92 : f32 to vector<16xf32>
        %mul3A_94 = arith.mulf %add3A_91, %mul3A_93 : vector<16xf32>
        %max3A = arith.maximumf %add3A_91, %mul3A_94 : vector<16xf32>
        %lt3A = arith.constant 4 : i32
        %lt3A_95 = vector.broadcast %lt3A : i32 to vector<16xi32>
        %lt3A_96 = arith.cmpi slt, %iota3A, %lt3A_95 : vector<16xi32>
        %exp3A = math.exp %max3A : vector<16xf32>
        %jit3A = arith.constant 0.000000e+00 : f32
        %broadcast_in_dim3A = vector.broadcast %jit3A : f32 to vector<16xf32>
        %select_n3A = arith.select %lt3A_96, %exp3A, %broadcast_in_dim3A : vector<16xi1>, vector<16xf32>
        %swap3A = arith.index_cast %scan3A_83 : i32 to index
        %swap3A_97 = arith.constant 128 : index
        %swap3A_98 = tpu.vector_load %arg10[%swap3A, %swap3A_97] {strides = array<i32>} : memref<128x144xf32, #tpu.memory_space<vmem>>, vector<1x16xf32>,
        %swap3A_99 = vector.shape_cast %swap3A_98 : vector<1x16xf32> to vector<16xf32>
        %swap3A_100 = vector.shape_cast %select_n3A : vector<16xf32> to vector<1x16xf32>
        tpu.vector_store %arg10[%swap3A, %swap3A_97], %swap3A_100 {strides = array<i32>} : memref<128x144xf32, #tpu.memory_space<vmem>>, vector<1x16xf32>,
        %broadcast_in_dim3A_101 = arith.constant 0 : i32
        %broadcast_in_dim3A_102 = vector.broadcast %broadcast_in_dim3A_101 : i32 to vector<16x1xi32>
        %gather3A = vector.shape_cast %broadcast_in_dim3A_102 : vector<16x1xi32> to vector<16xi32>
        %gather3A_103 = tpu.dynamic_gather %select_n3A[%gather3A] in [0] : vector<16xf32>, vector<16xi32> -> vector<16xf32>
        %get3A_104 = arith.index_cast %scan3A_83 : i32 to index
        %get3A_105 = arith.constant 0 : index
        %get3A_106 = tpu.vector_load %arg9[%get3A_104, %get3A_105] {strides = array<i32>} : memref<128x128xf32, #tpu.memory_space<vmem>>, vector<1x16xf32>,
        %get3A_107 = vector.shape_cast %get3A_106 : vector<1x16xf32> to vector<16xf32>
        %mul3A_108 = arith.mulf %get3A_107, %gather3A_103 : vector<16xf32>
        %swap3A_109 = arith.index_cast %scan3A_83 : i32 to index
        %swap3A_110 = arith.constant 0 : index
        %swap3A_111 = tpu.vector_load %arg10[%swap3A_109, %swap3A_110] {strides = array<i32>} : memref<128x144xf32, #tpu.memory_space<vmem>>, vector<1x16xf32>,
        %swap3A_112 = vector.shape_cast %swap3A_111 : vector<1x16xf32> to vector<16xf32>
        %swap3A_113 = vector.shape_cast %mul3A_108 : vector<16xf32> to vector<1x16xf32>
        tpu.vector_store %arg10[%swap3A_109, %swap3A_110], %swap3A_113 {strides = array<i32>} : memref<128x144xf32, #tpu.memory_space<vmem>>, vector<1x16xf32>,
        %get3A_114 = arith.index_cast %scan3A_83 : i32 to index
        %get3A_115 = arith.constant 16 : index
        %get3A_116 = tpu.vector_load %arg9[%get3A_114, %get3A_115] {strides = array<i32>} : memref<128x128xf32, #tpu.memory_space<vmem>>, vector<1x16xf32>,
        %get3A_117 = vector.shape_cast %get3A_116 : vector<1x16xf32> to vector<16xf32>
        %mul3A_118 = arith.mulf %get3A_117, %gather3A_103 : vector<16xf32>
        %swap3A_119 = arith.index_cast %scan3A_83 : i32 to index
        %swap3A_120 = arith.constant 16 : index
        %swap3A_121 = tpu.vector_load %arg10[%swap3A_119, %swap3A_120] {strides = array<i32>} : memref<128x144xf32, #tpu.memory_space<vmem>>, vector<1x16xf32>,
        %swap3A_122 = vector.shape_cast %swap3A_121 : vector<1x16xf32> to vector<16xf32>
        %swap3A_123 = vector.shape_cast %mul3A_118 : vector<16xf32> to vector<1x16xf32>
        tpu.vector_store %arg10[%swap3A_119, %swap3A_120], %swap3A_123 {strides = array<i32>} : memref<128x144xf32, #tpu.memory_space<vmem>>, vector<1x16xf32>,
        %broadcast_in_dim3A_124 = arith.constant 1 : i32
        %broadcast_in_dim3A_125 = vector.broadcast %broadcast_in_dim3A_124 : i32 to vector<16x1xi32>
        %gather3A_126 = vector.shape_cast %broadcast_in_dim3A_125 : vector<16x1xi32> to vector<16xi32>
        %gather3A_127 = tpu.dynamic_gather %select_n3A[%gather3A_126] in [0] : vector<16xf32>, vector<16xi32> -> vector<16xf32>
        %get3A_128 = arith.index_cast %scan3A_83 : i32 to index
        %get3A_129 = arith.constant 32 : index
        %get3A_130 = tpu.vector_load %arg9[%get3A_128, %get3A_129] {strides = array<i32>} : memref<128x128xf32, #tpu.memory_space<vmem>>, vector<1x16xf32>,
        %get3A_131 = vector.shape_cast %get3A_130 : vector<1x16xf32> to vector<16xf32>
        %mul3A_132 = arith.mulf %get3A_131, %gather3A_127 : vector<16xf32>
        %swap3A_133 = arith.index_cast %scan3A_83 : i32 to index
        %swap3A_134 = arith.constant 32 : index
        %swap3A_135 = tpu.vector_load %arg10[%swap3A_133, %swap3A_134] {strides = array<i32>} : memref<128x144xf32, #tpu.memory_space<vmem>>, vector<1x16xf32>,
        %swap3A_136 = vector.shape_cast %swap3A_135 : vector<1x16xf32> to vector<16xf32>
        %swap3A_137 = vector.shape_cast %mul3A_132 : vector<16xf32> to vector<1x16xf32>
        tpu.vector_store %arg10[%swap3A_133, %swap3A_134], %swap3A_137 {strides = array<i32>} : memref<128x144xf32, #tpu.memory_space<vmem>>, vector<1x16xf32>,
        %get3A_138 = arith.index_cast %scan3A_83 : i32 to index
        %get3A_139 = arith.constant 48 : index
        %get3A_140 = tpu.vector_load %arg9[%get3A_138, %get3A_139] {strides = array<i32>} : memref<128x128xf32, #tpu.memory_space<vmem>>, vector<1x16xf32>,
        %get3A_141 = vector.shape_cast %get3A_140 : vector<1x16xf32> to vector<16xf32>
        %mul3A_142 = arith.mulf %get3A_141, %gather3A_127 : vector<16xf32>
        %swap3A_143 = arith.index_cast %scan3A_83 : i32 to index
        %swap3A_144 = arith.constant 48 : index
        %swap3A_145 = tpu.vector_load %arg10[%swap3A_143, %swap3A_144] {strides = array<i32>} : memref<128x144xf32, #tpu.memory_space<vmem>>, vector<1x16xf32>,
        %swap3A_146 = vector.shape_cast %swap3A_145 : vector<1x16xf32> to vector<16xf32>
        %swap3A_147 = vector.shape_cast %mul3A_142 : vector<16xf32> to vector<1x16xf32>
        tpu.vector_store %arg10[%swap3A_143, %swap3A_144], %swap3A_147 {strides = array<i32>} : memref<128x144xf32, #tpu.memory_space<vmem>>, vector<1x16xf32>,
        %broadcast_in_dim3A_148 = arith.constant 2 : i32
        %broadcast_in_dim3A_149 = vector.broadcast %broadcast_in_dim3A_148 : i32 to vector<16x1xi32>
        %gather3A_150 = vector.shape_cast %broadcast_in_dim3A_149 : vector<16x1xi32> to vector<16xi32>
        %gather3A_151 = tpu.dynamic_gather %select_n3A[%gather3A_150] in [0] : vector<16xf32>, vector<16xi32> -> vector<16xf32>
        %get3A_152 = arith.index_cast %scan3A_83 : i32 to index
        %get3A_153 = arith.constant 64 : index
        %get3A_154 = tpu.vector_load %arg9[%get3A_152, %get3A_153] {strides = array<i32>} : memref<128x128xf32, #tpu.memory_space<vmem>>, vector<1x16xf32>,
        %get3A_155 = vector.shape_cast %get3A_154 : vector<1x16xf32> to vector<16xf32>
        %mul3A_156 = arith.mulf %get3A_155, %gather3A_151 : vector<16xf32>
        %swap3A_157 = arith.index_cast %scan3A_83 : i32 to index
        %swap3A_158 = arith.constant 64 : index
        %swap3A_159 = tpu.vector_load %arg10[%swap3A_157, %swap3A_158] {strides = array<i32>} : memref<128x144xf32, #tpu.memory_space<vmem>>, vector<1x16xf32>,
        %swap3A_160 = vector.shape_cast %swap3A_159 : vector<1x16xf32> to vector<16xf32>
        %swap3A_161 = vector.shape_cast %mul3A_156 : vector<16xf32> to vector<1x16xf32>
        tpu.vector_store %arg10[%swap3A_157, %swap3A_158], %swap3A_161 {strides = array<i32>} : memref<128x144xf32, #tpu.memory_space<vmem>>, vector<1x16xf32>,
        %get3A_162 = arith.index_cast %scan3A_83 : i32 to index
        %get3A_163 = arith.constant 80 : index
        %get3A_164 = tpu.vector_load %arg9[%get3A_162, %get3A_163] {strides = array<i32>} : memref<128x128xf32, #tpu.memory_space<vmem>>, vector<1x16xf32>,
        %get3A_165 = vector.shape_cast %get3A_164 : vector<1x16xf32> to vector<16xf32>
        %mul3A_166 = arith.mulf %get3A_165, %gather3A_151 : vector<16xf32>
        %swap3A_167 = arith.index_cast %scan3A_83 : i32 to index
        %swap3A_168 = arith.constant 80 : index
        %swap3A_169 = tpu.vector_load %arg10[%swap3A_167, %swap3A_168] {strides = array<i32>} : memref<128x144xf32, #tpu.memory_space<vmem>>, vector<1x16xf32>,
        %swap3A_170 = vector.shape_cast %swap3A_169 : vector<1x16xf32> to vector<16xf32>
        %swap3A_171 = vector.shape_cast %mul3A_166 : vector<16xf32> to vector<1x16xf32>
        tpu.vector_store %arg10[%swap3A_167, %swap3A_168], %swap3A_171 {strides = array<i32>} : memref<128x144xf32, #tpu.memory_space<vmem>>, vector<1x16xf32>,
        %broadcast_in_dim3A_172 = arith.constant 3 : i32
        %broadcast_in_dim3A_173 = vector.broadcast %broadcast_in_dim3A_172 : i32 to vector<16x1xi32>
        %gather3A_174 = vector.shape_cast %broadcast_in_dim3A_173 : vector<16x1xi32> to vector<16xi32>
        %gather3A_175 = tpu.dynamic_gather %select_n3A[%gather3A_174] in [0] : vector<16xf32>, vector<16xi32> -> vector<16xf32>
        %get3A_176 = arith.index_cast %scan3A_83 : i32 to index
        %get3A_177 = arith.constant 96 : index
        %get3A_178 = tpu.vector_load %arg9[%get3A_176, %get3A_177] {strides = array<i32>} : memref<128x128xf32, #tpu.memory_space<vmem>>, vector<1x16xf32>,
        %get3A_179 = vector.shape_cast %get3A_178 : vector<1x16xf32> to vector<16xf32>
        %mul3A_180 = arith.mulf %get3A_179, %gather3A_175 : vector<16xf32>
        %swap3A_181 = arith.index_cast %scan3A_83 : i32 to index
        %swap3A_182 = arith.constant 96 : index
        %swap3A_183 = tpu.vector_load %arg10[%swap3A_181, %swap3A_182] {strides = array<i32>} : memref<128x144xf32, #tpu.memory_space<vmem>>, vector<1x16xf32>,
        %swap3A_184 = vector.shape_cast %swap3A_183 : vector<1x16xf32> to vector<16xf32>
        %swap3A_185 = vector.shape_cast %mul3A_180 : vector<16xf32> to vector<1x16xf32>
        tpu.vector_store %arg10[%swap3A_181, %swap3A_182], %swap3A_185 {strides = array<i32>} : memref<128x144xf32, #tpu.memory_space<vmem>>, vector<1x16xf32>,
        %get3A_186 = arith.index_cast %scan3A_83 : i32 to index
        %get3A_187 = arith.constant 112 : index
        %get3A_188 = tpu.vector_load %arg9[%get3A_186, %get3A_187] {strides = array<i32>} : memref<128x128xf32, #tpu.memory_space<vmem>>, vector<1x16xf32>,
        %get3A_189 = vector.shape_cast %get3A_188 : vector<1x16xf32> to vector<16xf32>
        %mul3A_190 = arith.mulf %get3A_189, %gather3A_175 : vector<16xf32>
        %swap3A_191 = arith.index_cast %scan3A_83 : i32 to index
        %swap3A_192 = arith.constant 112 : index
        %swap3A_193 = tpu.vector_load %arg10[%swap3A_191, %swap3A_192] {strides = array<i32>} : memref<128x144xf32, #tpu.memory_space<vmem>>, vector<1x16xf32>,
        %swap3A_194 = vector.shape_cast %swap3A_193 : vector<1x16xf32> to vector<16xf32>
        %swap3A_195 = vector.shape_cast %mul3A_190 : vector<16xf32> to vector<1x16xf32>
        tpu.vector_store %arg10[%swap3A_191, %swap3A_192], %swap3A_195 {strides = array<i32>} : memref<128x144xf32, #tpu.memory_space<vmem>>, vector<1x16xf32>,
      }
      %scan3A_81 = arith.constant 128 : i32
      %run_scoped3A_82 = arith.constant 0 : i32
      "tpu.region"() ({
        %run_scoped3A_83 = tpu.sem_alloc : memref<!tpu.dma_semaphore, #tpu.memory_space<semaphore_mem>>
        %dma_start3A_84 = arith.constant 0 : i32
        %dma_start3A_85 = tpu.memref_slice %arg14[%run_scoped3A_82, %dma_start3A_84] : memref<1x128xi32, #tpu.memory_space<vmem>> -> memref<1x128xi32, #tpu.memory_space<vmem>>
        %dma_start3A_86 = tpu.memref_squeeze %dma_start3A_85 : memref<1x128xi32, #tpu.memory_space<vmem>> -> memref<128xi32, #tpu.memory_space<vmem>>
        %dma_start3A_87 = arith.constant 0 : i32
        %dma_start3A_88 = arith.constant 0 : i32
        %dma_start3A_89 = tpu.memref_slice %arg8[%dma_start3A_87, %dma_start3A_88] : memref<10016x144xf32, #tpu.memory_space<vmem_shared>> -> memref<10016x144xf32, #tpu.memory_space<vmem_shared>>
        tpu.enqueue_indirect_dma source(%arg10 : memref<128x144xf32, #tpu.memory_space<vmem>>) target(%dma_start3A_89 : memref<10016x144xf32, #tpu.memory_space<vmem_shared>>) offsets(%dma_start3A_86 : memref<128xi32, #tpu.memory_space<vmem>>) semaphore(%run_scoped3A_83 : memref<!tpu.dma_semaphore, #tpu.memory_space<semaphore_mem>>) {add = true}
        %dma_wait3A_90 = arith.constant 0 : i32
        %dma_wait3A_91 = tpu.memref_slice %arg14[%run_scoped3A_82, %dma_wait3A_90] : memref<1x128xi32, #tpu.memory_space<vmem>> -> memref<1x128xi32, #tpu.memory_space<vmem>>
        %dma_wait3A_92 = tpu.memref_squeeze %dma_wait3A_91 : memref<1x128xi32, #tpu.memory_space<vmem>> -> memref<128xi32, #tpu.memory_space<vmem>>
        %dma_wait3A_93 = arith.constant 0 : i32
        %dma_wait3A_94 = arith.constant 0 : i32
        %dma_wait3A_95 = tpu.memref_slice %arg8[%dma_wait3A_93, %dma_wait3A_94] : memref<10016x144xf32, #tpu.memory_space<vmem_shared>> -> memref<10016x144xf32, #tpu.memory_space<vmem_shared>>
        tpu.wait_indirect_dma semaphore(%run_scoped3A_83 : memref<!tpu.dma_semaphore, #tpu.memory_space<semaphore_mem>>) src(%arg10 : memref<128x144xf32, #tpu.memory_space<vmem>>) dst(%dma_wait3A_95 : memref<10016x144xf32, #tpu.memory_space<vmem_shared>>)
        tpu.yield
      }) : () -> ()
    }
    %scan3A_24 = arith.constant 81 : i32
    %barrier3A_25 = arith.constant 0 : index
    tpu.barrier barrier_id(%barrier3A_25)
    %add3A_26 = arith.constant 0 : i32
    %add3A_27 = arith.addi %min3A_8, %add3A_26 : i32
    %add3A_28 = arith.constant 0 : i32
    %add3A_29 = arith.addi %min3A_8, %add3A_28 : i32
    "tpu.region"() ({
      %run_scoped3A = tpu.sem_alloc : memref<!tpu.dma_semaphore, #tpu.memory_space<semaphore_mem>>
      %dma_start3A = arith.constant 0 : i32
      %dma_start3A_46 = tpu.memref_slice %arg7[%arg0, %add3A_29, %dma_start3A] : memref<2x10016x144xf32, #tpu.memory_space<hbm>> -> memref<1x128x144xf32, #tpu.memory_space<hbm>>
      %dma_start3A_47 = tpu.memref_squeeze %dma_start3A_46 : memref<1x128x144xf32, #tpu.memory_space<hbm>> -> memref<128x144xf32, #tpu.memory_space<hbm>>
      %dma_start3A_48 = arith.constant 0 : i32
      %dma_start3A_49 = tpu.memref_slice %arg8[%add3A_27, %dma_start3A_48] : memref<10016x144xf32, #tpu.memory_space<vmem_shared>> -> memref<128x144xf32, #tpu.memory_space<vmem_shared>>
      tpu.enqueue_dma source(%dma_start3A_49 : memref<128x144xf32, #tpu.memory_space<vmem_shared>>) target(%dma_start3A_47 : memref<128x144xf32, #tpu.memory_space<hbm>>) target_semaphore(%run_scoped3A : memref<!tpu.dma_semaphore, #tpu.memory_space<semaphore_mem>>)
      %dma_wait3A = arith.constant 0 : i32
      %dma_wait3A_50 = tpu.memref_slice %arg7[%arg0, %add3A_29, %dma_wait3A] : memref<2x10016x144xf32, #tpu.memory_space<hbm>> -> memref<1x128x144xf32, #tpu.memory_space<hbm>>
      %dma_wait3A_51 = tpu.memref_squeeze %dma_wait3A_50 : memref<1x128x144xf32, #tpu.memory_space<hbm>> -> memref<128x144xf32, #tpu.memory_space<hbm>>
      %dma_wait3A_52 = arith.constant 0 : i32
      %dma_wait3A_53 = tpu.memref_slice %arg8[%add3A_27, %dma_wait3A_52] : memref<10016x144xf32, #tpu.memory_space<vmem_shared>> -> memref<128x144xf32, #tpu.memory_space<vmem_shared>>
      tpu.wait_dma2 semaphore(%run_scoped3A : memref<!tpu.dma_semaphore, #tpu.memory_space<semaphore_mem>>) src(%dma_wait3A_53 : memref<128x144xf32, #tpu.memory_space<vmem_shared>>) dst(%dma_wait3A_51 : memref<128x144xf32, #tpu.memory_space<hbm>>)
      tpu.yield
    }) : () -> ()
    %add3A_30 = arith.constant 128 : i32
    %add3A_31 = arith.addi %min3A_8, %add3A_30 : i32
    %add3A_32 = arith.constant 128 : i32
    %add3A_33 = arith.addi %min3A_8, %add3A_32 : i32
    "tpu.region"() ({
      %run_scoped3A = tpu.sem_alloc : memref<!tpu.dma_semaphore, #tpu.memory_space<semaphore_mem>>
      %dma_start3A = arith.constant 0 : i32
      %dma_start3A_46 = tpu.memref_slice %arg7[%arg0, %add3A_33, %dma_start3A] : memref<2x10016x144xf32, #tpu.memory_space<hbm>> -> memref<1x128x144xf32, #tpu.memory_space<hbm>>
      %dma_start3A_47 = tpu.memref_squeeze %dma_start3A_46 : memref<1x128x144xf32, #tpu.memory_space<hbm>> -> memref<128x144xf32, #tpu.memory_space<hbm>>
      %dma_start3A_48 = arith.constant 0 : i32
      %dma_start3A_49 = tpu.memref_slice %arg8[%add3A_31, %dma_start3A_48] : memref<10016x144xf32, #tpu.memory_space<vmem_shared>> -> memref<128x144xf32, #tpu.memory_space<vmem_shared>>
      tpu.enqueue_dma source(%dma_start3A_49 : memref<128x144xf32, #tpu.memory_space<vmem_shared>>) target(%dma_start3A_47 : memref<128x144xf32, #tpu.memory_space<hbm>>) target_semaphore(%run_scoped3A : memref<!tpu.dma_semaphore, #tpu.memory_space<semaphore_mem>>)
      %dma_wait3A = arith.constant 0 : i32
      %dma_wait3A_50 = tpu.memref_slice %arg7[%arg0, %add3A_33, %dma_wait3A] : memref<2x10016x144xf32, #tpu.memory_space<hbm>> -> memref<1x128x144xf32, #tpu.memory_space<hbm>>
      %dma_wait3A_51 = tpu.memref_squeeze %dma_wait3A_50 : memref<1x128x144xf32, #tpu.memory_space<hbm>> -> memref<128x144xf32, #tpu.memory_space<hbm>>
      %dma_wait3A_52 = arith.constant 0 : i32
      %dma_wait3A_53 = tpu.memref_slice %arg8[%add3A_31, %dma_wait3A_52] : memref<10016x144xf32, #tpu.memory_space<vmem_shared>> -> memref<128x144xf32, #tpu.memory_space<vmem_shared>>
      tpu.wait_dma2 semaphore(%run_scoped3A : memref<!tpu.dma_semaphore, #tpu.memory_space<semaphore_mem>>) src(%dma_wait3A_53 : memref<128x144xf32, #tpu.memory_space<vmem_shared>>) dst(%dma_wait3A_51 : memref<128x144xf32, #tpu.memory_space<hbm>>)
      tpu.yield
    }) : () -> ()
    %add3A_34 = arith.constant 256 : i32
    %add3A_35 = arith.addi %min3A_8, %add3A_34 : i32
    %add3A_36 = arith.constant 256 : i32
    %add3A_37 = arith.addi %min3A_8, %add3A_36 : i32
    "tpu.region"() ({
      %run_scoped3A = tpu.sem_alloc : memref<!tpu.dma_semaphore, #tpu.memory_space<semaphore_mem>>
      %dma_start3A = arith.constant 0 : i32
      %dma_start3A_46 = tpu.memref_slice %arg7[%arg0, %add3A_37, %dma_start3A] : memref<2x10016x144xf32, #tpu.memory_space<hbm>> -> memref<1x128x144xf32, #tpu.memory_space<hbm>>
      %dma_start3A_47 = tpu.memref_squeeze %dma_start3A_46 : memref<1x128x144xf32, #tpu.memory_space<hbm>> -> memref<128x144xf32, #tpu.memory_space<hbm>>
      %dma_start3A_48 = arith.constant 0 : i32
      %dma_start3A_49 = tpu.memref_slice %arg8[%add3A_35, %dma_start3A_48] : memref<10016x144xf32, #tpu.memory_space<vmem_shared>> -> memref<128x144xf32, #tpu.memory_space<vmem_shared>>
      tpu.enqueue_dma source(%dma_start3A_49 : memref<128x144xf32, #tpu.memory_space<vmem_shared>>) target(%dma_start3A_47 : memref<128x144xf32, #tpu.memory_space<hbm>>) target_semaphore(%run_scoped3A : memref<!tpu.dma_semaphore, #tpu.memory_space<semaphore_mem>>)
      %dma_wait3A = arith.constant 0 : i32
      %dma_wait3A_50 = tpu.memref_slice %arg7[%arg0, %add3A_37, %dma_wait3A] : memref<2x10016x144xf32, #tpu.memory_space<hbm>> -> memref<1x128x144xf32, #tpu.memory_space<hbm>>
      %dma_wait3A_51 = tpu.memref_squeeze %dma_wait3A_50 : memref<1x128x144xf32, #tpu.memory_space<hbm>> -> memref<128x144xf32, #tpu.memory_space<hbm>>
      %dma_wait3A_52 = arith.constant 0 : i32
      %dma_wait3A_53 = tpu.memref_slice %arg8[%add3A_35, %dma_wait3A_52] : memref<10016x144xf32, #tpu.memory_space<vmem_shared>> -> memref<128x144xf32, #tpu.memory_space<vmem_shared>>
      tpu.wait_dma2 semaphore(%run_scoped3A : memref<!tpu.dma_semaphore, #tpu.memory_space<semaphore_mem>>) src(%dma_wait3A_53 : memref<128x144xf32, #tpu.memory_space<vmem_shared>>) dst(%dma_wait3A_51 : memref<128x144xf32, #tpu.memory_space<hbm>>)
      tpu.yield
    }) : () -> ()
    %add3A_38 = arith.constant 384 : i32
    %add3A_39 = arith.addi %min3A_8, %add3A_38 : i32
    %add3A_40 = arith.constant 384 : i32
    %add3A_41 = arith.addi %min3A_8, %add3A_40 : i32
    "tpu.region"() ({
      %run_scoped3A = tpu.sem_alloc : memref<!tpu.dma_semaphore, #tpu.memory_space<semaphore_mem>>
      %dma_start3A = arith.constant 0 : i32
      %dma_start3A_46 = tpu.memref_slice %arg7[%arg0, %add3A_41, %dma_start3A] : memref<2x10016x144xf32, #tpu.memory_space<hbm>> -> memref<1x128x144xf32, #tpu.memory_space<hbm>>
      %dma_start3A_47 = tpu.memref_squeeze %dma_start3A_46 : memref<1x128x144xf32, #tpu.memory_space<hbm>> -> memref<128x144xf32, #tpu.memory_space<hbm>>
      %dma_start3A_48 = arith.constant 0 : i32
      %dma_start3A_49 = tpu.memref_slice %arg8[%add3A_39, %dma_start3A_48] : memref<10016x144xf32, #tpu.memory_space<vmem_shared>> -> memref<128x144xf32, #tpu.memory_space<vmem_shared>>
      tpu.enqueue_dma source(%dma_start3A_49 : memref<128x144xf32, #tpu.memory_space<vmem_shared>>) target(%dma_start3A_47 : memref<128x144xf32, #tpu.memory_space<hbm>>) target_semaphore(%run_scoped3A : memref<!tpu.dma_semaphore, #tpu.memory_space<semaphore_mem>>)
      %dma_wait3A = arith.constant 0 : i32
      %dma_wait3A_50 = tpu.memref_slice %arg7[%arg0, %add3A_41, %dma_wait3A] : memref<2x10016x144xf32, #tpu.memory_space<hbm>> -> memref<1x128x144xf32, #tpu.memory_space<hbm>>
      %dma_wait3A_51 = tpu.memref_squeeze %dma_wait3A_50 : memref<1x128x144xf32, #tpu.memory_space<hbm>> -> memref<128x144xf32, #tpu.memory_space<hbm>>
      %dma_wait3A_52 = arith.constant 0 : i32
      %dma_wait3A_53 = tpu.memref_slice %arg8[%add3A_39, %dma_wait3A_52] : memref<10016x144xf32, #tpu.memory_space<vmem_shared>> -> memref<128x144xf32, #tpu.memory_space<vmem_shared>>
      tpu.wait_dma2 semaphore(%run_scoped3A : memref<!tpu.dma_semaphore, #tpu.memory_space<semaphore_mem>>) src(%dma_wait3A_53 : memref<128x144xf32, #tpu.memory_space<vmem_shared>>) dst(%dma_wait3A_51 : memref<128x144xf32, #tpu.memory_space<hbm>>)
      tpu.yield
    }) : () -> ()
    %add3A_42 = arith.constant 512 : i32
    %add3A_43 = arith.addi %min3A_8, %add3A_42 : i32
    %add3A_44 = arith.constant 512 : i32
    %add3A_45 = arith.addi %min3A_8, %add3A_44 : i32
    "tpu.region"() ({
      %run_scoped3A = tpu.sem_alloc : memref<!tpu.dma_semaphore, #tpu.memory_space<semaphore_mem>>
      %dma_start3A = arith.constant 0 : i32
      %dma_start3A_46 = tpu.memref_slice %arg7[%arg0, %add3A_45, %dma_start3A] : memref<2x10016x144xf32, #tpu.memory_space<hbm>> -> memref<1x128x144xf32, #tpu.memory_space<hbm>>
      %dma_start3A_47 = tpu.memref_squeeze %dma_start3A_46 : memref<1x128x144xf32, #tpu.memory_space<hbm>> -> memref<128x144xf32, #tpu.memory_space<hbm>>
      %dma_start3A_48 = arith.constant 0 : i32
      %dma_start3A_49 = tpu.memref_slice %arg8[%add3A_43, %dma_start3A_48] : memref<10016x144xf32, #tpu.memory_space<vmem_shared>> -> memref<128x144xf32, #tpu.memory_space<vmem_shared>>
      tpu.enqueue_dma source(%dma_start3A_49 : memref<128x144xf32, #tpu.memory_space<vmem_shared>>) target(%dma_start3A_47 : memref<128x144xf32, #tpu.memory_space<hbm>>) target_semaphore(%run_scoped3A : memref<!tpu.dma_semaphore, #tpu.memory_space<semaphore_mem>>)
      %dma_wait3A = arith.constant 0 : i32
      %dma_wait3A_50 = tpu.memref_slice %arg7[%arg0, %add3A_45, %dma_wait3A] : memref<2x10016x144xf32, #tpu.memory_space<hbm>> -> memref<1x128x144xf32, #tpu.memory_space<hbm>>
      %dma_wait3A_51 = tpu.memref_squeeze %dma_wait3A_50 : memref<1x128x144xf32, #tpu.memory_space<hbm>> -> memref<128x144xf32, #tpu.memory_space<hbm>>
      %dma_wait3A_52 = arith.constant 0 : i32
      %dma_wait3A_53 = tpu.memref_slice %arg8[%add3A_43, %dma_wait3A_52] : memref<10016x144xf32, #tpu.memory_space<vmem_shared>> -> memref<128x144xf32, #tpu.memory_space<vmem_shared>>
      tpu.wait_dma2 semaphore(%run_scoped3A : memref<!tpu.dma_semaphore, #tpu.memory_space<semaphore_mem>>) src(%dma_wait3A_53 : memref<128x144xf32, #tpu.memory_space<vmem_shared>>) dst(%dma_wait3A_51 : memref<128x144xf32, #tpu.memory_space<hbm>>)
      tpu.yield
    }) : () -> ()
    return
  }
}

#map = affine_map<(d0, d1) -> (0, 0)>
#map1 = affine_map<(d0, d1) -> (0)>
#map2 = affine_map<(d0, d1) -> (0, 0, 0)>
module attributes {stable_mosaic.version = 14 : i64} {
  func.func @_sc_edge_body(%arg0: i32, %arg1: i32, %arg2: memref<10001x128xf32, #tpu.memory_space<hbm>>, %arg3: memref<10001x16xf32, #tpu.memory_space<hbm>>, %arg4: memref<10001x16xf32, #tpu.memory_space<hbm>>, %arg5: memref<331776xi32, #tpu.memory_space<hbm>>, %arg6: memref<331776xi32, #tpu.memory_space<hbm>>, %arg7: memref<2x10016x144xf32, #tpu.memory_space<hbm>>, %arg8: memref<10016x144xf32, #tpu.memory_space<vmem_shared>>, %arg9: memref<128x128xf32, #tpu.memory_space<vmem>>, %arg10: memref<128x144xf32, #tpu.memory_space<vmem>>, %arg11: memref<128x16xf32, #tpu.memory_space<vmem>>, %arg12: memref<128x16xf32, #tpu.memory_space<vmem>>, %arg13: memref<128xi32, #tpu.memory_space<vmem>>, %arg14: memref<1x128xi32, #tpu.memory_space<vmem>>, %arg15: memref<!tpu.dma_semaphore, #tpu.memory_space<semaphore_mem>>, %arg16: memref<!tpu.dma_semaphore, #tpu.memory_space<semaphore_mem>>, %arg17: memref<!tpu.dma_semaphore, #tpu.memory_space<semaphore_mem>>) attributes {dimension_semantics = [#tpu.dimension_semantics<core_parallel>, #tpu.dimension_semantics<subcore_parallel>], iteration_bounds = array<i64: 2, 16>, scalar_prefetch = 0 : i64, scratch_operands = 10 : i64, tpu.core_type = #tpu.core_type<sc_vector_subcore>, window_params = [{transform_indices = #map}, {transform_indices = #map}, {transform_indices = #map}, {transform_indices = #map1}, {transform_indices = #map1}, {transform_indices = #map2}]} {
    %mul3A = arith.constant 2 : i32
    %mul3A_0 = arith.muli %arg1, %mul3A : i32
    %add3A = arith.addi %mul3A_0, %arg0 : i32
    %scan3A = arith.constant 0 : i32
    %scan3A_1 = arith.constant 0 : i32
    %scan3A_2 = arith.constant 128 : i32
    %scan3A_3 = arith.addi %scan3A_1, %scan3A_2 : i32
    %scan3A_4 = arith.constant 1 : i32
    scf.for %scan3A_46 = %scan3A_1 to %scan3A_3 step %scan3A_4  : i32 {
      %broadcast_in_dim3A = arith.constant 0.000000e+00 : f32
      %broadcast_in_dim3A_47 = vector.broadcast %broadcast_in_dim3A : f32 to vector<16xf32>
      %swap3A = arith.index_cast %scan3A_46 : i32 to index
      %swap3A_48 = arith.constant 0 : index
      %swap3A_49 = tpu.vector_load %arg10[%swap3A, %swap3A_48] {strides = array<i32>} : memref<128x144xf32, #tpu.memory_space<vmem>>, vector<1x16xf32>,
      %swap3A_50 = vector.shape_cast %swap3A_49 : vector<1x16xf32> to vector<16xf32>
      %swap3A_51 = vector.shape_cast %broadcast_in_dim3A_47 : vector<16xf32> to vector<1x16xf32>
      tpu.vector_store %arg10[%swap3A, %swap3A_48], %swap3A_51 {strides = array<i32>} : memref<128x144xf32, #tpu.memory_space<vmem>>, vector<1x16xf32>,
      %broadcast_in_dim3A_52 = arith.constant 0.000000e+00 : f32
      %broadcast_in_dim3A_53 = vector.broadcast %broadcast_in_dim3A_52 : f32 to vector<16xf32>
      %swap3A_54 = arith.index_cast %scan3A_46 : i32 to index
      %swap3A_55 = arith.constant 16 : index
      %swap3A_56 = tpu.vector_load %arg10[%swap3A_54, %swap3A_55] {strides = array<i32>} : memref<128x144xf32, #tpu.memory_space<vmem>>, vector<1x16xf32>,
      %swap3A_57 = vector.shape_cast %swap3A_56 : vector<1x16xf32> to vector<16xf32>
      %swap3A_58 = vector.shape_cast %broadcast_in_dim3A_53 : vector<16xf32> to vector<1x16xf32>
      tpu.vector_store %arg10[%swap3A_54, %swap3A_55], %swap3A_58 {strides = array<i32>} : memref<128x144xf32, #tpu.memory_space<vmem>>, vector<1x16xf32>,
      %broadcast_in_dim3A_59 = arith.constant 0.000000e+00 : f32
      %broadcast_in_dim3A_60 = vector.broadcast %broadcast_in_dim3A_59 : f32 to vector<16xf32>
      %swap3A_61 = arith.index_cast %scan3A_46 : i32 to index
      %swap3A_62 = arith.constant 32 : index
      %swap3A_63 = tpu.vector_load %arg10[%swap3A_61, %swap3A_62] {strides = array<i32>} : memref<128x144xf32, #tpu.memory_space<vmem>>, vector<1x16xf32>,
      %swap3A_64 = vector.shape_cast %swap3A_63 : vector<1x16xf32> to vector<16xf32>
      %swap3A_65 = vector.shape_cast %broadcast_in_dim3A_60 : vector<16xf32> to vector<1x16xf32>
      tpu.vector_store %arg10[%swap3A_61, %swap3A_62], %swap3A_65 {strides = array<i32>} : memref<128x144xf32, #tpu.memory_space<vmem>>, vector<1x16xf32>,
      %broadcast_in_dim3A_66 = arith.constant 0.000000e+00 : f32
      %broadcast_in_dim3A_67 = vector.broadcast %broadcast_in_dim3A_66 : f32 to vector<16xf32>
      %swap3A_68 = arith.index_cast %scan3A_46 : i32 to index
      %swap3A_69 = arith.constant 48 : index
      %swap3A_70 = tpu.vector_load %arg10[%swap3A_68, %swap3A_69] {strides = array<i32>} : memref<128x144xf32, #tpu.memory_space<vmem>>, vector<1x16xf32>,
      %swap3A_71 = vector.shape_cast %swap3A_70 : vector<1x16xf32> to vector<16xf32>
      %swap3A_72 = vector.shape_cast %broadcast_in_dim3A_67 : vector<16xf32> to vector<1x16xf32>
      tpu.vector_store %arg10[%swap3A_68, %swap3A_69], %swap3A_72 {strides = array<i32>} : memref<128x144xf32, #tpu.memory_space<vmem>>, vector<1x16xf32>,
      %broadcast_in_dim3A_73 = arith.constant 0.000000e+00 : f32
      %broadcast_in_dim3A_74 = vector.broadcast %broadcast_in_dim3A_73 : f32 to vector<16xf32>
      %swap3A_75 = arith.index_cast %scan3A_46 : i32 to index
      %swap3A_76 = arith.constant 64 : index
      %swap3A_77 = tpu.vector_load %arg10[%swap3A_75, %swap3A_76] {strides = array<i32>} : memref<128x144xf32, #tpu.memory_space<vmem>>, vector<1x16xf32>,
      %swap3A_78 = vector.shape_cast %swap3A_77 : vector<1x16xf32> to vector<16xf32>
      %swap3A_79 = vector.shape_cast %broadcast_in_dim3A_74 : vector<16xf32> to vector<1x16xf32>
      tpu.vector_store %arg10[%swap3A_75, %swap3A_76], %swap3A_79 {strides = array<i32>} : memref<128x144xf32, #tpu.memory_space<vmem>>, vector<1x16xf32>,
      %broadcast_in_dim3A_80 = arith.constant 0.000000e+00 : f32
      %broadcast_in_dim3A_81 = vector.broadcast %broadcast_in_dim3A_80 : f32 to vector<16xf32>
      %swap3A_82 = arith.index_cast %scan3A_46 : i32 to index
      %swap3A_83 = arith.constant 80 : index
      %swap3A_84 = tpu.vector_load %arg10[%swap3A_82, %swap3A_83] {strides = array<i32>} : memref<128x144xf32, #tpu.memory_space<vmem>>, vector<1x16xf32>,
      %swap3A_85 = vector.shape_cast %swap3A_84 : vector<1x16xf32> to vector<16xf32>
      %swap3A_86 = vector.shape_cast %broadcast_in_dim3A_81 : vector<16xf32> to vector<1x16xf32>
      tpu.vector_store %arg10[%swap3A_82, %swap3A_83], %swap3A_86 {strides = array<i32>} : memref<128x144xf32, #tpu.memory_space<vmem>>, vector<1x16xf32>,
      %broadcast_in_dim3A_87 = arith.constant 0.000000e+00 : f32
      %broadcast_in_dim3A_88 = vector.broadcast %broadcast_in_dim3A_87 : f32 to vector<16xf32>
      %swap3A_89 = arith.index_cast %scan3A_46 : i32 to index
      %swap3A_90 = arith.constant 96 : index
      %swap3A_91 = tpu.vector_load %arg10[%swap3A_89, %swap3A_90] {strides = array<i32>} : memref<128x144xf32, #tpu.memory_space<vmem>>, vector<1x16xf32>,
      %swap3A_92 = vector.shape_cast %swap3A_91 : vector<1x16xf32> to vector<16xf32>
      %swap3A_93 = vector.shape_cast %broadcast_in_dim3A_88 : vector<16xf32> to vector<1x16xf32>
      tpu.vector_store %arg10[%swap3A_89, %swap3A_90], %swap3A_93 {strides = array<i32>} : memref<128x144xf32, #tpu.memory_space<vmem>>, vector<1x16xf32>,
      %broadcast_in_dim3A_94 = arith.constant 0.000000e+00 : f32
      %broadcast_in_dim3A_95 = vector.broadcast %broadcast_in_dim3A_94 : f32 to vector<16xf32>
      %swap3A_96 = arith.index_cast %scan3A_46 : i32 to index
      %swap3A_97 = arith.constant 112 : index
      %swap3A_98 = tpu.vector_load %arg10[%swap3A_96, %swap3A_97] {strides = array<i32>} : memref<128x144xf32, #tpu.memory_space<vmem>>, vector<1x16xf32>,
      %swap3A_99 = vector.shape_cast %swap3A_98 : vector<1x16xf32> to vector<16xf32>
      %swap3A_100 = vector.shape_cast %broadcast_in_dim3A_95 : vector<16xf32> to vector<1x16xf32>
      tpu.vector_store %arg10[%swap3A_96, %swap3A_97], %swap3A_100 {strides = array<i32>} : memref<128x144xf32, #tpu.memory_space<vmem>>, vector<1x16xf32>,
      %broadcast_in_dim3A_101 = arith.constant 0.000000e+00 : f32
      %broadcast_in_dim3A_102 = vector.broadcast %broadcast_in_dim3A_101 : f32 to vector<16xf32>
      %swap3A_103 = arith.index_cast %scan3A_46 : i32 to index
      %swap3A_104 = arith.constant 128 : index
      %swap3A_105 = tpu.vector_load %arg10[%swap3A_103, %swap3A_104] {strides = array<i32>} : memref<128x144xf32, #tpu.memory_space<vmem>>, vector<1x16xf32>,
      %swap3A_106 = vector.shape_cast %swap3A_105 : vector<1x16xf32> to vector<16xf32>
      %swap3A_107 = vector.shape_cast %broadcast_in_dim3A_102 : vector<16xf32> to vector<1x16xf32>
      tpu.vector_store %arg10[%swap3A_103, %swap3A_104], %swap3A_107 {strides = array<i32>} : memref<128x144xf32, #tpu.memory_space<vmem>>, vector<1x16xf32>,
    }
    %scan3A_5 = arith.constant 128 : i32
    %mul3A_6 = arith.constant 626 : i32
    %mul3A_7 = arith.muli %arg1, %mul3A_6 : i32
    %min3A = arith.constant 9376 : i32
    %min3A_8 = arith.minsi %mul3A_7, %min3A : i32
    %add3A_9 = arith.constant 0 : i32
    %add3A_10 = arith.addi %min3A_8, %add3A_9 : i32
    "tpu.region"() ({
      %run_scoped3A = tpu.sem_alloc : memref<!tpu.dma_semaphore, #tpu.memory_space<semaphore_mem>>
      %dma_start3A = arith.constant 0 : i32
      %dma_start3A_46 = tpu.memref_slice %arg8[%add3A_10, %dma_start3A] : memref<10016x144xf32, #tpu.memory_space<vmem_shared>> -> memref<128x144xf32, #tpu.memory_space<vmem_shared>>
      %dma_start3A_47 = arith.constant 0 : i32
      %dma_start3A_48 = tpu.memref_slice %arg8[%add3A_10, %dma_start3A_47] : memref<10016x144xf32, #tpu.memory_space<vmem_shared>> -> memref<128x144xf32, #tpu.memory_space<vmem_shared>>
      tpu.enqueue_dma source(%arg10 : memref<128x144xf32, #tpu.memory_space<vmem>>) target(%dma_start3A_48 : memref<128x144xf32, #tpu.memory_space<vmem_shared>>) target_semaphore(%run_scoped3A : memref<!tpu.dma_semaphore, #tpu.memory_space<semaphore_mem>>)
      %dma_wait3A = arith.constant 0 : i32
      %dma_wait3A_49 = tpu.memref_slice %arg8[%add3A_10, %dma_wait3A] : memref<10016x144xf32, #tpu.memory_space<vmem_shared>> -> memref<128x144xf32, #tpu.memory_space<vmem_shared>>
      %dma_wait3A_50 = arith.constant 0 : i32
      %dma_wait3A_51 = tpu.memref_slice %arg8[%add3A_10, %dma_wait3A_50] : memref<10016x144xf32, #tpu.memory_space<vmem_shared>> -> memref<128x144xf32, #tpu.memory_space<vmem_shared>>
      tpu.wait_dma2 semaphore(%run_scoped3A : memref<!tpu.dma_semaphore, #tpu.memory_space<semaphore_mem>>) src(%arg10 : memref<128x144xf32, #tpu.memory_space<vmem>>) dst(%dma_wait3A_51 : memref<128x144xf32, #tpu.memory_space<vmem_shared>>)
      tpu.yield
    }) : () -> ()
    %add3A_11 = arith.constant 128 : i32
    %add3A_12 = arith.addi %min3A_8, %add3A_11 : i32
    "tpu.region"() ({
      %run_scoped3A = tpu.sem_alloc : memref<!tpu.dma_semaphore, #tpu.memory_space<semaphore_mem>>
      %dma_start3A = arith.constant 0 : i32
      %dma_start3A_46 = tpu.memref_slice %arg8[%add3A_12, %dma_start3A] : memref<10016x144xf32, #tpu.memory_space<vmem_shared>> -> memref<128x144xf32, #tpu.memory_space<vmem_shared>>
      %dma_start3A_47 = arith.constant 0 : i32
      %dma_start3A_48 = tpu.memref_slice %arg8[%add3A_12, %dma_start3A_47] : memref<10016x144xf32, #tpu.memory_space<vmem_shared>> -> memref<128x144xf32, #tpu.memory_space<vmem_shared>>
      tpu.enqueue_dma source(%arg10 : memref<128x144xf32, #tpu.memory_space<vmem>>) target(%dma_start3A_48 : memref<128x144xf32, #tpu.memory_space<vmem_shared>>) target_semaphore(%run_scoped3A : memref<!tpu.dma_semaphore, #tpu.memory_space<semaphore_mem>>)
      %dma_wait3A = arith.constant 0 : i32
      %dma_wait3A_49 = tpu.memref_slice %arg8[%add3A_12, %dma_wait3A] : memref<10016x144xf32, #tpu.memory_space<vmem_shared>> -> memref<128x144xf32, #tpu.memory_space<vmem_shared>>
      %dma_wait3A_50 = arith.constant 0 : i32
      %dma_wait3A_51 = tpu.memref_slice %arg8[%add3A_12, %dma_wait3A_50] : memref<10016x144xf32, #tpu.memory_space<vmem_shared>> -> memref<128x144xf32, #tpu.memory_space<vmem_shared>>
      tpu.wait_dma2 semaphore(%run_scoped3A : memref<!tpu.dma_semaphore, #tpu.memory_space<semaphore_mem>>) src(%arg10 : memref<128x144xf32, #tpu.memory_space<vmem>>) dst(%dma_wait3A_51 : memref<128x144xf32, #tpu.memory_space<vmem_shared>>)
      tpu.yield
    }) : () -> ()
    %add3A_13 = arith.constant 256 : i32
    %add3A_14 = arith.addi %min3A_8, %add3A_13 : i32
    "tpu.region"() ({
      %run_scoped3A = tpu.sem_alloc : memref<!tpu.dma_semaphore, #tpu.memory_space<semaphore_mem>>
      %dma_start3A = arith.constant 0 : i32
      %dma_start3A_46 = tpu.memref_slice %arg8[%add3A_14, %dma_start3A] : memref<10016x144xf32, #tpu.memory_space<vmem_shared>> -> memref<128x144xf32, #tpu.memory_space<vmem_shared>>
      %dma_start3A_47 = arith.constant 0 : i32
      %dma_start3A_48 = tpu.memref_slice %arg8[%add3A_14, %dma_start3A_47] : memref<10016x144xf32, #tpu.memory_space<vmem_shared>> -> memref<128x144xf32, #tpu.memory_space<vmem_shared>>
      tpu.enqueue_dma source(%arg10 : memref<128x144xf32, #tpu.memory_space<vmem>>) target(%dma_start3A_48 : memref<128x144xf32, #tpu.memory_space<vmem_shared>>) target_semaphore(%run_scoped3A : memref<!tpu.dma_semaphore, #tpu.memory_space<semaphore_mem>>)
      %dma_wait3A = arith.constant 0 : i32
      %dma_wait3A_49 = tpu.memref_slice %arg8[%add3A_14, %dma_wait3A] : memref<10016x144xf32, #tpu.memory_space<vmem_shared>> -> memref<128x144xf32, #tpu.memory_space<vmem_shared>>
      %dma_wait3A_50 = arith.constant 0 : i32
      %dma_wait3A_51 = tpu.memref_slice %arg8[%add3A_14, %dma_wait3A_50] : memref<10016x144xf32, #tpu.memory_space<vmem_shared>> -> memref<128x144xf32, #tpu.memory_space<vmem_shared>>
      tpu.wait_dma2 semaphore(%run_scoped3A : memref<!tpu.dma_semaphore, #tpu.memory_space<semaphore_mem>>) src(%arg10 : memref<128x144xf32, #tpu.memory_space<vmem>>) dst(%dma_wait3A_51 : memref<128x144xf32, #tpu.memory_space<vmem_shared>>)
      tpu.yield
    }) : () -> ()
    %add3A_15 = arith.constant 384 : i32
    %add3A_16 = arith.addi %min3A_8, %add3A_15 : i32
    "tpu.region"() ({
      %run_scoped3A = tpu.sem_alloc : memref<!tpu.dma_semaphore, #tpu.memory_space<semaphore_mem>>
      %dma_start3A = arith.constant 0 : i32
      %dma_start3A_46 = tpu.memref_slice %arg8[%add3A_16, %dma_start3A] : memref<10016x144xf32, #tpu.memory_space<vmem_shared>> -> memref<128x144xf32, #tpu.memory_space<vmem_shared>>
      %dma_start3A_47 = arith.constant 0 : i32
      %dma_start3A_48 = tpu.memref_slice %arg8[%add3A_16, %dma_start3A_47] : memref<10016x144xf32, #tpu.memory_space<vmem_shared>> -> memref<128x144xf32, #tpu.memory_space<vmem_shared>>
      tpu.enqueue_dma source(%arg10 : memref<128x144xf32, #tpu.memory_space<vmem>>) target(%dma_start3A_48 : memref<128x144xf32, #tpu.memory_space<vmem_shared>>) target_semaphore(%run_scoped3A : memref<!tpu.dma_semaphore, #tpu.memory_space<semaphore_mem>>)
      %dma_wait3A = arith.constant 0 : i32
      %dma_wait3A_49 = tpu.memref_slice %arg8[%add3A_16, %dma_wait3A] : memref<10016x144xf32, #tpu.memory_space<vmem_shared>> -> memref<128x144xf32, #tpu.memory_space<vmem_shared>>
      %dma_wait3A_50 = arith.constant 0 : i32
      %dma_wait3A_51 = tpu.memref_slice %arg8[%add3A_16, %dma_wait3A_50] : memref<10016x144xf32, #tpu.memory_space<vmem_shared>> -> memref<128x144xf32, #tpu.memory_space<vmem_shared>>
      tpu.wait_dma2 semaphore(%run_scoped3A : memref<!tpu.dma_semaphore, #tpu.memory_space<semaphore_mem>>) src(%arg10 : memref<128x144xf32, #tpu.memory_space<vmem>>) dst(%dma_wait3A_51 : memref<128x144xf32, #tpu.memory_space<vmem_shared>>)
      tpu.yield
    }) : () -> ()
    %add3A_17 = arith.constant 512 : i32
    %add3A_18 = arith.addi %min3A_8, %add3A_17 : i32
    "tpu.region"() ({
      %run_scoped3A = tpu.sem_alloc : memref<!tpu.dma_semaphore, #tpu.memory_space<semaphore_mem>>
      %dma_start3A = arith.constant 0 : i32
      %dma_start3A_46 = tpu.memref_slice %arg8[%add3A_18, %dma_start3A] : memref<10016x144xf32, #tpu.memory_space<vmem_shared>> -> memref<128x144xf32, #tpu.memory_space<vmem_shared>>
      %dma_start3A_47 = arith.constant 0 : i32
      %dma_start3A_48 = tpu.memref_slice %arg8[%add3A_18, %dma_start3A_47] : memref<10016x144xf32, #tpu.memory_space<vmem_shared>> -> memref<128x144xf32, #tpu.memory_space<vmem_shared>>
      tpu.enqueue_dma source(%arg10 : memref<128x144xf32, #tpu.memory_space<vmem>>) target(%dma_start3A_48 : memref<128x144xf32, #tpu.memory_space<vmem_shared>>) target_semaphore(%run_scoped3A : memref<!tpu.dma_semaphore, #tpu.memory_space<semaphore_mem>>)
      %dma_wait3A = arith.constant 0 : i32
      %dma_wait3A_49 = tpu.memref_slice %arg8[%add3A_18, %dma_wait3A] : memref<10016x144xf32, #tpu.memory_space<vmem_shared>> -> memref<128x144xf32, #tpu.memory_space<vmem_shared>>
      %dma_wait3A_50 = arith.constant 0 : i32
      %dma_wait3A_51 = tpu.memref_slice %arg8[%add3A_18, %dma_wait3A_50] : memref<10016x144xf32, #tpu.memory_space<vmem_shared>> -> memref<128x144xf32, #tpu.memory_space<vmem_shared>>
      tpu.wait_dma2 semaphore(%run_scoped3A : memref<!tpu.dma_semaphore, #tpu.memory_space<semaphore_mem>>) src(%arg10 : memref<128x144xf32, #tpu.memory_space<vmem>>) dst(%dma_wait3A_51 : memref<128x144xf32, #tpu.memory_space<vmem_shared>>)
      tpu.yield
    }) : () -> ()
    %barrier3A = arith.constant 0 : index
    tpu.barrier barrier_id(%barrier3A)
    %iota3A = tpu.iota {dimensions = array<i32: 0>} : vector<16xi32>
    %scan3A_19 = arith.constant 0 : i32
    %scan3A_20 = arith.constant 0 : i32
    %scan3A_21 = arith.constant 81 : i32
    %scan3A_22 = arith.addi %scan3A_20, %scan3A_21 : i32
    %scan3A_23 = arith.constant 1 : i32
    scf.for %scan3A_46 = %scan3A_20 to %scan3A_22 step %scan3A_23  : i32 {
      %mul3A_47 = arith.constant 10368 : i32
      %mul3A_48 = arith.muli %add3A, %mul3A_47 : i32
      %mul3A_49 = arith.constant 128 : i32
      %mul3A_50 = arith.muli %scan3A_46, %mul3A_49 : i32
      %add3A_51 = arith.addi %mul3A_48, %mul3A_50 : i32
      "tpu.region"() ({
        %run_scoped3A_83 = tpu.sem_alloc : memref<!tpu.dma_semaphore, #tpu.memory_space<semaphore_mem>>
        %dma_start3A_84 = tpu.memref_slice %arg5[%add3A_51] : memref<331776xi32, #tpu.memory_space<hbm>> -> memref<128xi32, #tpu.memory_space<hbm>>
        %dma_start3A_85 = tpu.memref_slice %arg5[%add3A_51] : memref<331776xi32, #tpu.memory_space<hbm>> -> memref<128xi32, #tpu.memory_space<hbm>>
        tpu.enqueue_dma source(%dma_start3A_85 : memref<128xi32, #tpu.memory_space<hbm>>) target(%arg13 : memref<128xi32, #tpu.memory_space<vmem>>) target_semaphore(%run_scoped3A_83 : memref<!tpu.dma_semaphore, #tpu.memory_space<semaphore_mem>>)
        %dma_wait3A_86 = tpu.memref_slice %arg5[%add3A_51] : memref<331776xi32, #tpu.memory_space<hbm>> -> memref<128xi32, #tpu.memory_space<hbm>>
        %dma_wait3A_87 = tpu.memref_slice %arg5[%add3A_51] : memref<331776xi32, #tpu.memory_space<hbm>> -> memref<128xi32, #tpu.memory_space<hbm>>
        tpu.wait_dma2 semaphore(%run_scoped3A_83 : memref<!tpu.dma_semaphore, #tpu.memory_space<semaphore_mem>>) src(%dma_wait3A_87 : memref<128xi32, #tpu.memory_space<hbm>>) dst(%arg13 : memref<128xi32, #tpu.memory_space<vmem>>)
        tpu.yield
      }) : () -> ()
      %run_scoped3A = arith.constant 0 : i32
      "tpu.region"() ({
        %run_scoped3A_83 = tpu.sem_alloc : memref<!tpu.dma_semaphore, #tpu.memory_space<semaphore_mem>>
        %dma_start3A_84 = arith.constant 0 : i32
        %dma_start3A_85 = tpu.memref_slice %arg14[%run_scoped3A, %dma_start3A_84] : memref<1x128xi32, #tpu.memory_space<vmem>> -> memref<1x128xi32, #tpu.memory_space<vmem>>
        %dma_start3A_86 = tpu.memref_squeeze %dma_start3A_85 : memref<1x128xi32, #tpu.memory_space<vmem>> -> memref<128xi32, #tpu.memory_space<vmem>>
        %dma_start3A_87 = tpu.memref_slice %arg6[%add3A_51] : memref<331776xi32, #tpu.memory_space<hbm>> -> memref<128xi32, #tpu.memory_space<hbm>>
        %dma_start3A_88 = arith.constant 0 : i32
        %dma_start3A_89 = tpu.memref_slice %arg14[%run_scoped3A, %dma_start3A_88] : memref<1x128xi32, #tpu.memory_space<vmem>> -> memref<1x128xi32, #tpu.memory_space<vmem>>
        %dma_start3A_90 = tpu.memref_squeeze %dma_start3A_89 : memref<1x128xi32, #tpu.memory_space<vmem>> -> memref<128xi32, #tpu.memory_space<vmem>>
        %dma_start3A_91 = tpu.memref_slice %arg6[%add3A_51] : memref<331776xi32, #tpu.memory_space<hbm>> -> memref<128xi32, #tpu.memory_space<hbm>>
        tpu.enqueue_dma source(%dma_start3A_91 : memref<128xi32, #tpu.memory_space<hbm>>) target(%dma_start3A_90 : memref<128xi32, #tpu.memory_space<vmem>>) target_semaphore(%run_scoped3A_83 : memref<!tpu.dma_semaphore, #tpu.memory_space<semaphore_mem>>)
        %dma_wait3A_92 = arith.constant 0 : i32
        %dma_wait3A_93 = tpu.memref_slice %arg14[%run_scoped3A, %dma_wait3A_92] : memref<1x128xi32, #tpu.memory_space<vmem>> -> memref<1x128xi32, #tpu.memory_space<vmem>>
        %dma_wait3A_94 = tpu.memref_squeeze %dma_wait3A_93 : memref<1x128xi32, #tpu.memory_space<vmem>> -> memref<128xi32, #tpu.memory_space<vmem>>
        %dma_wait3A_95 = tpu.memref_slice %arg6[%add3A_51] : memref<331776xi32, #tpu.memory_space<hbm>> -> memref<128xi32, #tpu.memory_space<hbm>>
        %dma_wait3A_96 = arith.constant 0 : i32
        %dma_wait3A_97 = tpu.memref_slice %arg14[%run_scoped3A, %dma_wait3A_96] : memref<1x128xi32, #tpu.memory_space<vmem>> -> memref<1x128xi32, #tpu.memory_space<vmem>>
        %dma_wait3A_98 = tpu.memref_squeeze %dma_wait3A_97 : memref<1x128xi32, #tpu.memory_space<vmem>> -> memref<128xi32, #tpu.memory_space<vmem>>
        %dma_wait3A_99 = tpu.memref_slice %arg6[%add3A_51] : memref<331776xi32, #tpu.memory_space<hbm>> -> memref<128xi32, #tpu.memory_space<hbm>>
        tpu.wait_dma2 semaphore(%run_scoped3A_83 : memref<!tpu.dma_semaphore, #tpu.memory_space<semaphore_mem>>) src(%dma_wait3A_99 : memref<128xi32, #tpu.memory_space<hbm>>) dst(%dma_wait3A_98 : memref<128xi32, #tpu.memory_space<vmem>>)
        tpu.yield
      }) : () -> ()
      %dma_start3A = arith.constant 0 : i32
      %dma_start3A_52 = arith.constant 0 : i32
      %dma_start3A_53 = tpu.memref_slice %arg2[%dma_start3A, %dma_start3A_52] : memref<10001x128xf32, #tpu.memory_space<hbm>> -> memref<10001x128xf32, #tpu.memory_space<hbm>>
      tpu.enqueue_indirect_dma source(%dma_start3A_53 : memref<10001x128xf32, #tpu.memory_space<hbm>>) target(%arg9 : memref<128x128xf32, #tpu.memory_space<vmem>>) offsets(%arg13 : memref<128xi32, #tpu.memory_space<vmem>>) semaphore(%arg15 : memref<!tpu.dma_semaphore, #tpu.memory_space<semaphore_mem>>)
      %dma_start3A_54 = arith.constant 0 : i32
      %dma_start3A_55 = arith.constant 0 : i32
      %dma_start3A_56 = tpu.memref_slice %arg3[%dma_start3A_54, %dma_start3A_55] : memref<10001x16xf32, #tpu.memory_space<hbm>> -> memref<10001x16xf32, #tpu.memory_space<hbm>>
      tpu.enqueue_indirect_dma source(%dma_start3A_56 : memref<10001x16xf32, #tpu.memory_space<hbm>>) target(%arg11 : memref<128x16xf32, #tpu.memory_space<vmem>>) offsets(%arg13 : memref<128xi32, #tpu.memory_space<vmem>>) semaphore(%arg16 : memref<!tpu.dma_semaphore, #tpu.memory_space<semaphore_mem>>)
      %dma_start3A_57 = arith.constant 0 : i32
      %dma_start3A_58 = arith.constant 0 : i32
      %dma_start3A_59 = tpu.memref_slice %arg14[%dma_start3A_57, %dma_start3A_58] : memref<1x128xi32, #tpu.memory_space<vmem>> -> memref<1x128xi32, #tpu.memory_space<vmem>>
      %dma_start3A_60 = tpu.memref_squeeze %dma_start3A_59 : memref<1x128xi32, #tpu.memory_space<vmem>> -> memref<128xi32, #tpu.memory_space<vmem>>
      %dma_start3A_61 = arith.constant 0 : i32
      %dma_start3A_62 = arith.constant 0 : i32
      %dma_start3A_63 = tpu.memref_slice %arg4[%dma_start3A_61, %dma_start3A_62] : memref<10001x16xf32, #tpu.memory_space<hbm>> -> memref<10001x16xf32, #tpu.memory_space<hbm>>
      tpu.enqueue_indirect_dma source(%dma_start3A_63 : memref<10001x16xf32, #tpu.memory_space<hbm>>) target(%arg12 : memref<128x16xf32, #tpu.memory_space<vmem>>) offsets(%dma_start3A_60 : memref<128xi32, #tpu.memory_space<vmem>>) semaphore(%arg17 : memref<!tpu.dma_semaphore, #tpu.memory_space<semaphore_mem>>)
      %dma_wait3A = arith.constant 0 : i32
      %dma_wait3A_64 = arith.constant 0 : i32
      %dma_wait3A_65 = tpu.memref_slice %arg2[%dma_wait3A, %dma_wait3A_64] : memref<10001x128xf32, #tpu.memory_space<hbm>> -> memref<10001x128xf32, #tpu.memory_space<hbm>>
      tpu.wait_indirect_dma semaphore(%arg15 : memref<!tpu.dma_semaphore, #tpu.memory_space<semaphore_mem>>) src(%dma_wait3A_65 : memref<10001x128xf32, #tpu.memory_space<hbm>>) dst(%arg9 : memref<128x128xf32, #tpu.memory_space<vmem>>)
      %dma_wait3A_66 = arith.constant 0 : i32
      %dma_wait3A_67 = arith.constant 0 : i32
      %dma_wait3A_68 = tpu.memref_slice %arg3[%dma_wait3A_66, %dma_wait3A_67] : memref<10001x16xf32, #tpu.memory_space<hbm>> -> memref<10001x16xf32, #tpu.memory_space<hbm>>
      tpu.wait_indirect_dma semaphore(%arg16 : memref<!tpu.dma_semaphore, #tpu.memory_space<semaphore_mem>>) src(%dma_wait3A_68 : memref<10001x16xf32, #tpu.memory_space<hbm>>) dst(%arg11 : memref<128x16xf32, #tpu.memory_space<vmem>>)
      %dma_wait3A_69 = arith.constant 0 : i32
      %dma_wait3A_70 = arith.constant 0 : i32
      %dma_wait3A_71 = tpu.memref_slice %arg14[%dma_wait3A_69, %dma_wait3A_70] : memref<1x128xi32, #tpu.memory_space<vmem>> -> memref<1x128xi32, #tpu.memory_space<vmem>>
      %dma_wait3A_72 = tpu.memref_squeeze %dma_wait3A_71 : memref<1x128xi32, #tpu.memory_space<vmem>> -> memref<128xi32, #tpu.memory_space<vmem>>
      %dma_wait3A_73 = arith.constant 0 : i32
      %dma_wait3A_74 = arith.constant 0 : i32
      %dma_wait3A_75 = tpu.memref_slice %arg4[%dma_wait3A_73, %dma_wait3A_74] : memref<10001x16xf32, #tpu.memory_space<hbm>> -> memref<10001x16xf32, #tpu.memory_space<hbm>>
      tpu.wait_indirect_dma semaphore(%arg17 : memref<!tpu.dma_semaphore, #tpu.memory_space<semaphore_mem>>) src(%dma_wait3A_75 : memref<10001x16xf32, #tpu.memory_space<hbm>>) dst(%arg12 : memref<128x16xf32, #tpu.memory_space<vmem>>)
      %scan3A_76 = arith.constant 0 : i32
      %scan3A_77 = arith.constant 0 : i32
      %scan3A_78 = arith.constant 128 : i32
      %scan3A_79 = arith.addi %scan3A_77, %scan3A_78 : i32
      %scan3A_80 = arith.constant 1 : i32
      scf.for %scan3A_83 = %scan3A_77 to %scan3A_79 step %scan3A_80  : i32 {
        %get3A = arith.index_cast %scan3A_83 : i32 to index
        %get3A_84 = arith.constant 0 : index
        %get3A_85 = tpu.vector_load %arg11[%get3A, %get3A_84] {strides = array<i32>} : memref<128x16xf32, #tpu.memory_space<vmem>>, vector<1x16xf32>,
        %get3A_86 = vector.shape_cast %get3A_85 : vector<1x16xf32> to vector<16xf32>
        %get3A_87 = arith.index_cast %scan3A_83 : i32 to index
        %get3A_88 = arith.constant 0 : index
        %get3A_89 = tpu.vector_load %arg12[%get3A_87, %get3A_88] {strides = array<i32>} : memref<128x16xf32, #tpu.memory_space<vmem>>, vector<1x16xf32>,
        %get3A_90 = vector.shape_cast %get3A_89 : vector<1x16xf32> to vector<16xf32>
        %add3A_91 = arith.addf %get3A_86, %get3A_90 : vector<16xf32>
        %mul3A_92 = arith.constant 2.000000e-01 : f32
        %mul3A_93 = vector.broadcast %mul3A_92 : f32 to vector<16xf32>
        %mul3A_94 = arith.mulf %add3A_91, %mul3A_93 : vector<16xf32>
        %max3A = arith.maximumf %add3A_91, %mul3A_94 : vector<16xf32>
        %lt3A = arith.constant 4 : i32
        %lt3A_95 = vector.broadcast %lt3A : i32 to vector<16xi32>
        %lt3A_96 = arith.cmpi slt, %iota3A, %lt3A_95 : vector<16xi32>
        %exp3A = math.exp %max3A : vector<16xf32>
        %jit3A = arith.constant 0.000000e+00 : f32
        %broadcast_in_dim3A = vector.broadcast %jit3A : f32 to vector<16xf32>
        %select_n3A = arith.select %lt3A_96, %exp3A, %broadcast_in_dim3A : vector<16xi1>, vector<16xf32>
        %swap3A = arith.index_cast %scan3A_83 : i32 to index
        %swap3A_97 = arith.constant 128 : index
        %swap3A_98 = tpu.vector_load %arg10[%swap3A, %swap3A_97] {strides = array<i32>} : memref<128x144xf32, #tpu.memory_space<vmem>>, vector<1x16xf32>,
        %swap3A_99 = vector.shape_cast %swap3A_98 : vector<1x16xf32> to vector<16xf32>
        %swap3A_100 = vector.shape_cast %select_n3A : vector<16xf32> to vector<1x16xf32>
        tpu.vector_store %arg10[%swap3A, %swap3A_97], %swap3A_100 {strides = array<i32>} : memref<128x144xf32, #tpu.memory_space<vmem>>, vector<1x16xf32>,
        %broadcast_in_dim3A_101 = arith.constant 0 : i32
        %broadcast_in_dim3A_102 = vector.broadcast %broadcast_in_dim3A_101 : i32 to vector<16x1xi32>
        %gather3A = vector.shape_cast %broadcast_in_dim3A_102 : vector<16x1xi32> to vector<16xi32>
        %gather3A_103 = tpu.dynamic_gather %select_n3A[%gather3A] in [0] : vector<16xf32>, vector<16xi32> -> vector<16xf32>
        %get3A_104 = arith.index_cast %scan3A_83 : i32 to index
        %get3A_105 = arith.constant 0 : index
        %get3A_106 = tpu.vector_load %arg9[%get3A_104, %get3A_105] {strides = array<i32>} : memref<128x128xf32, #tpu.memory_space<vmem>>, vector<1x16xf32>,
        %get3A_107 = vector.shape_cast %get3A_106 : vector<1x16xf32> to vector<16xf32>
        %mul3A_108 = arith.mulf %get3A_107, %gather3A_103 : vector<16xf32>
        %swap3A_109 = arith.index_cast %scan3A_83 : i32 to index
        %swap3A_110 = arith.constant 0 : index
        %swap3A_111 = tpu.vector_load %arg10[%swap3A_109, %swap3A_110] {strides = array<i32>} : memref<128x144xf32, #tpu.memory_space<vmem>>, vector<1x16xf32>,
        %swap3A_112 = vector.shape_cast %swap3A_111 : vector<1x16xf32> to vector<16xf32>
        %swap3A_113 = vector.shape_cast %mul3A_108 : vector<16xf32> to vector<1x16xf32>
        tpu.vector_store %arg10[%swap3A_109, %swap3A_110], %swap3A_113 {strides = array<i32>} : memref<128x144xf32, #tpu.memory_space<vmem>>, vector<1x16xf32>,
        %get3A_114 = arith.index_cast %scan3A_83 : i32 to index
        %get3A_115 = arith.constant 16 : index
        %get3A_116 = tpu.vector_load %arg9[%get3A_114, %get3A_115] {strides = array<i32>} : memref<128x128xf32, #tpu.memory_space<vmem>>, vector<1x16xf32>,
        %get3A_117 = vector.shape_cast %get3A_116 : vector<1x16xf32> to vector<16xf32>
        %mul3A_118 = arith.mulf %get3A_117, %gather3A_103 : vector<16xf32>
        %swap3A_119 = arith.index_cast %scan3A_83 : i32 to index
        %swap3A_120 = arith.constant 16 : index
        %swap3A_121 = tpu.vector_load %arg10[%swap3A_119, %swap3A_120] {strides = array<i32>} : memref<128x144xf32, #tpu.memory_space<vmem>>, vector<1x16xf32>,
        %swap3A_122 = vector.shape_cast %swap3A_121 : vector<1x16xf32> to vector<16xf32>
        %swap3A_123 = vector.shape_cast %mul3A_118 : vector<16xf32> to vector<1x16xf32>
        tpu.vector_store %arg10[%swap3A_119, %swap3A_120], %swap3A_123 {strides = array<i32>} : memref<128x144xf32, #tpu.memory_space<vmem>>, vector<1x16xf32>,
        %broadcast_in_dim3A_124 = arith.constant 1 : i32
        %broadcast_in_dim3A_125 = vector.broadcast %broadcast_in_dim3A_124 : i32 to vector<16x1xi32>
        %gather3A_126 = vector.shape_cast %broadcast_in_dim3A_125 : vector<16x1xi32> to vector<16xi32>
        %gather3A_127 = tpu.dynamic_gather %select_n3A[%gather3A_126] in [0] : vector<16xf32>, vector<16xi32> -> vector<16xf32>
        %get3A_128 = arith.index_cast %scan3A_83 : i32 to index
        %get3A_129 = arith.constant 32 : index
        %get3A_130 = tpu.vector_load %arg9[%get3A_128, %get3A_129] {strides = array<i32>} : memref<128x128xf32, #tpu.memory_space<vmem>>, vector<1x16xf32>,
        %get3A_131 = vector.shape_cast %get3A_130 : vector<1x16xf32> to vector<16xf32>
        %mul3A_132 = arith.mulf %get3A_131, %gather3A_127 : vector<16xf32>
        %swap3A_133 = arith.index_cast %scan3A_83 : i32 to index
        %swap3A_134 = arith.constant 32 : index
        %swap3A_135 = tpu.vector_load %arg10[%swap3A_133, %swap3A_134] {strides = array<i32>} : memref<128x144xf32, #tpu.memory_space<vmem>>, vector<1x16xf32>,
        %swap3A_136 = vector.shape_cast %swap3A_135 : vector<1x16xf32> to vector<16xf32>
        %swap3A_137 = vector.shape_cast %mul3A_132 : vector<16xf32> to vector<1x16xf32>
        tpu.vector_store %arg10[%swap3A_133, %swap3A_134], %swap3A_137 {strides = array<i32>} : memref<128x144xf32, #tpu.memory_space<vmem>>, vector<1x16xf32>,
        %get3A_138 = arith.index_cast %scan3A_83 : i32 to index
        %get3A_139 = arith.constant 48 : index
        %get3A_140 = tpu.vector_load %arg9[%get3A_138, %get3A_139] {strides = array<i32>} : memref<128x128xf32, #tpu.memory_space<vmem>>, vector<1x16xf32>,
        %get3A_141 = vector.shape_cast %get3A_140 : vector<1x16xf32> to vector<16xf32>
        %mul3A_142 = arith.mulf %get3A_141, %gather3A_127 : vector<16xf32>
        %swap3A_143 = arith.index_cast %scan3A_83 : i32 to index
        %swap3A_144 = arith.constant 48 : index
        %swap3A_145 = tpu.vector_load %arg10[%swap3A_143, %swap3A_144] {strides = array<i32>} : memref<128x144xf32, #tpu.memory_space<vmem>>, vector<1x16xf32>,
        %swap3A_146 = vector.shape_cast %swap3A_145 : vector<1x16xf32> to vector<16xf32>
        %swap3A_147 = vector.shape_cast %mul3A_142 : vector<16xf32> to vector<1x16xf32>
        tpu.vector_store %arg10[%swap3A_143, %swap3A_144], %swap3A_147 {strides = array<i32>} : memref<128x144xf32, #tpu.memory_space<vmem>>, vector<1x16xf32>,
        %broadcast_in_dim3A_148 = arith.constant 2 : i32
        %broadcast_in_dim3A_149 = vector.broadcast %broadcast_in_dim3A_148 : i32 to vector<16x1xi32>
        %gather3A_150 = vector.shape_cast %broadcast_in_dim3A_149 : vector<16x1xi32> to vector<16xi32>
        %gather3A_151 = tpu.dynamic_gather %select_n3A[%gather3A_150] in [0] : vector<16xf32>, vector<16xi32> -> vector<16xf32>
        %get3A_152 = arith.index_cast %scan3A_83 : i32 to index
        %get3A_153 = arith.constant 64 : index
        %get3A_154 = tpu.vector_load %arg9[%get3A_152, %get3A_153] {strides = array<i32>} : memref<128x128xf32, #tpu.memory_space<vmem>>, vector<1x16xf32>,
        %get3A_155 = vector.shape_cast %get3A_154 : vector<1x16xf32> to vector<16xf32>
        %mul3A_156 = arith.mulf %get3A_155, %gather3A_151 : vector<16xf32>
        %swap3A_157 = arith.index_cast %scan3A_83 : i32 to index
        %swap3A_158 = arith.constant 64 : index
        %swap3A_159 = tpu.vector_load %arg10[%swap3A_157, %swap3A_158] {strides = array<i32>} : memref<128x144xf32, #tpu.memory_space<vmem>>, vector<1x16xf32>,
        %swap3A_160 = vector.shape_cast %swap3A_159 : vector<1x16xf32> to vector<16xf32>
        %swap3A_161 = vector.shape_cast %mul3A_156 : vector<16xf32> to vector<1x16xf32>
        tpu.vector_store %arg10[%swap3A_157, %swap3A_158], %swap3A_161 {strides = array<i32>} : memref<128x144xf32, #tpu.memory_space<vmem>>, vector<1x16xf32>,
        %get3A_162 = arith.index_cast %scan3A_83 : i32 to index
        %get3A_163 = arith.constant 80 : index
        %get3A_164 = tpu.vector_load %arg9[%get3A_162, %get3A_163] {strides = array<i32>} : memref<128x128xf32, #tpu.memory_space<vmem>>, vector<1x16xf32>,
        %get3A_165 = vector.shape_cast %get3A_164 : vector<1x16xf32> to vector<16xf32>
        %mul3A_166 = arith.mulf %get3A_165, %gather3A_151 : vector<16xf32>
        %swap3A_167 = arith.index_cast %scan3A_83 : i32 to index
        %swap3A_168 = arith.constant 80 : index
        %swap3A_169 = tpu.vector_load %arg10[%swap3A_167, %swap3A_168] {strides = array<i32>} : memref<128x144xf32, #tpu.memory_space<vmem>>, vector<1x16xf32>,
        %swap3A_170 = vector.shape_cast %swap3A_169 : vector<1x16xf32> to vector<16xf32>
        %swap3A_171 = vector.shape_cast %mul3A_166 : vector<16xf32> to vector<1x16xf32>
        tpu.vector_store %arg10[%swap3A_167, %swap3A_168], %swap3A_171 {strides = array<i32>} : memref<128x144xf32, #tpu.memory_space<vmem>>, vector<1x16xf32>,
        %broadcast_in_dim3A_172 = arith.constant 3 : i32
        %broadcast_in_dim3A_173 = vector.broadcast %broadcast_in_dim3A_172 : i32 to vector<16x1xi32>
        %gather3A_174 = vector.shape_cast %broadcast_in_dim3A_173 : vector<16x1xi32> to vector<16xi32>
        %gather3A_175 = tpu.dynamic_gather %select_n3A[%gather3A_174] in [0] : vector<16xf32>, vector<16xi32> -> vector<16xf32>
        %get3A_176 = arith.index_cast %scan3A_83 : i32 to index
        %get3A_177 = arith.constant 96 : index
        %get3A_178 = tpu.vector_load %arg9[%get3A_176, %get3A_177] {strides = array<i32>} : memref<128x128xf32, #tpu.memory_space<vmem>>, vector<1x16xf32>,
        %get3A_179 = vector.shape_cast %get3A_178 : vector<1x16xf32> to vector<16xf32>
        %mul3A_180 = arith.mulf %get3A_179, %gather3A_175 : vector<16xf32>
        %swap3A_181 = arith.index_cast %scan3A_83 : i32 to index
        %swap3A_182 = arith.constant 96 : index
        %swap3A_183 = tpu.vector_load %arg10[%swap3A_181, %swap3A_182] {strides = array<i32>} : memref<128x144xf32, #tpu.memory_space<vmem>>, vector<1x16xf32>,
        %swap3A_184 = vector.shape_cast %swap3A_183 : vector<1x16xf32> to vector<16xf32>
        %swap3A_185 = vector.shape_cast %mul3A_180 : vector<16xf32> to vector<1x16xf32>
        tpu.vector_store %arg10[%swap3A_181, %swap3A_182], %swap3A_185 {strides = array<i32>} : memref<128x144xf32, #tpu.memory_space<vmem>>, vector<1x16xf32>,
        %get3A_186 = arith.index_cast %scan3A_83 : i32 to index
        %get3A_187 = arith.constant 112 : index
        %get3A_188 = tpu.vector_load %arg9[%get3A_186, %get3A_187] {strides = array<i32>} : memref<128x128xf32, #tpu.memory_space<vmem>>, vector<1x16xf32>,
        %get3A_189 = vector.shape_cast %get3A_188 : vector<1x16xf32> to vector<16xf32>
        %mul3A_190 = arith.mulf %get3A_189, %gather3A_175 : vector<16xf32>
        %swap3A_191 = arith.index_cast %scan3A_83 : i32 to index
        %swap3A_192 = arith.constant 112 : index
        %swap3A_193 = tpu.vector_load %arg10[%swap3A_191, %swap3A_192] {strides = array<i32>} : memref<128x144xf32, #tpu.memory_space<vmem>>, vector<1x16xf32>,
        %swap3A_194 = vector.shape_cast %swap3A_193 : vector<1x16xf32> to vector<16xf32>
        %swap3A_195 = vector.shape_cast %mul3A_190 : vector<16xf32> to vector<1x16xf32>
        tpu.vector_store %arg10[%swap3A_191, %swap3A_192], %swap3A_195 {strides = array<i32>} : memref<128x144xf32, #tpu.memory_space<vmem>>, vector<1x16xf32>,
      }
      %scan3A_81 = arith.constant 128 : i32
      %run_scoped3A_82 = arith.constant 0 : i32
      "tpu.region"() ({
        %run_scoped3A_83 = tpu.sem_alloc : memref<!tpu.dma_semaphore, #tpu.memory_space<semaphore_mem>>
        %dma_start3A_84 = arith.constant 0 : i32
        %dma_start3A_85 = tpu.memref_slice %arg14[%run_scoped3A_82, %dma_start3A_84] : memref<1x128xi32, #tpu.memory_space<vmem>> -> memref<1x128xi32, #tpu.memory_space<vmem>>
        %dma_start3A_86 = tpu.memref_squeeze %dma_start3A_85 : memref<1x128xi32, #tpu.memory_space<vmem>> -> memref<128xi32, #tpu.memory_space<vmem>>
        %dma_start3A_87 = arith.constant 0 : i32
        %dma_start3A_88 = arith.constant 0 : i32
        %dma_start3A_89 = tpu.memref_slice %arg8[%dma_start3A_87, %dma_start3A_88] : memref<10016x144xf32, #tpu.memory_space<vmem_shared>> -> memref<10016x144xf32, #tpu.memory_space<vmem_shared>>
        tpu.enqueue_indirect_dma source(%arg10 : memref<128x144xf32, #tpu.memory_space<vmem>>) target(%dma_start3A_89 : memref<10016x144xf32, #tpu.memory_space<vmem_shared>>) offsets(%dma_start3A_86 : memref<128xi32, #tpu.memory_space<vmem>>) semaphore(%run_scoped3A_83 : memref<!tpu.dma_semaphore, #tpu.memory_space<semaphore_mem>>) {add = true}
        %dma_wait3A_90 = arith.constant 0 : i32
        %dma_wait3A_91 = tpu.memref_slice %arg14[%run_scoped3A_82, %dma_wait3A_90] : memref<1x128xi32, #tpu.memory_space<vmem>> -> memref<1x128xi32, #tpu.memory_space<vmem>>
        %dma_wait3A_92 = tpu.memref_squeeze %dma_wait3A_91 : memref<1x128xi32, #tpu.memory_space<vmem>> -> memref<128xi32, #tpu.memory_space<vmem>>
        %dma_wait3A_93 = arith.constant 0 : i32
        %dma_wait3A_94 = arith.constant 0 : i32
        %dma_wait3A_95 = tpu.memref_slice %arg8[%dma_wait3A_93, %dma_wait3A_94] : memref<10016x144xf32, #tpu.memory_space<vmem_shared>> -> memref<10016x144xf32, #tpu.memory_space<vmem_shared>>
        tpu.wait_indirect_dma semaphore(%run_scoped3A_83 : memref<!tpu.dma_semaphore, #tpu.memory_space<semaphore_mem>>) src(%arg10 : memref<128x144xf32, #tpu.memory_space<vmem>>) dst(%dma_wait3A_95 : memref<10016x144xf32, #tpu.memory_space<vmem_shared>>)
        tpu.yield
      }) : () -> ()
    }
    %scan3A_24 = arith.constant 81 : i32
    %barrier3A_25 = arith.constant 0 : index
    tpu.barrier barrier_id(%barrier3A_25)
    %add3A_26 = arith.constant 0 : i32
    %add3A_27 = arith.addi %min3A_8, %add3A_26 : i32
    %add3A_28 = arith.constant 0 : i32
    %add3A_29 = arith.addi %min3A_8, %add3A_28 : i32
    "tpu.region"() ({
      %run_scoped3A = tpu.sem_alloc : memref<!tpu.dma_semaphore, #tpu.memory_space<semaphore_mem>>
      %dma_start3A = arith.constant 0 : i32
      %dma_start3A_46 = tpu.memref_slice %arg7[%arg0, %add3A_29, %dma_start3A] : memref<2x10016x144xf32, #tpu.memory_space<hbm>> -> memref<1x128x144xf32, #tpu.memory_space<hbm>>
      %dma_start3A_47 = tpu.memref_squeeze %dma_start3A_46 : memref<1x128x144xf32, #tpu.memory_space<hbm>> -> memref<128x144xf32, #tpu.memory_space<hbm>>
      %dma_start3A_48 = arith.constant 0 : i32
      %dma_start3A_49 = tpu.memref_slice %arg8[%add3A_27, %dma_start3A_48] : memref<10016x144xf32, #tpu.memory_space<vmem_shared>> -> memref<128x144xf32, #tpu.memory_space<vmem_shared>>
      tpu.enqueue_dma source(%dma_start3A_49 : memref<128x144xf32, #tpu.memory_space<vmem_shared>>) target(%dma_start3A_47 : memref<128x144xf32, #tpu.memory_space<hbm>>) target_semaphore(%run_scoped3A : memref<!tpu.dma_semaphore, #tpu.memory_space<semaphore_mem>>)
      %dma_wait3A = arith.constant 0 : i32
      %dma_wait3A_50 = tpu.memref_slice %arg7[%arg0, %add3A_29, %dma_wait3A] : memref<2x10016x144xf32, #tpu.memory_space<hbm>> -> memref<1x128x144xf32, #tpu.memory_space<hbm>>
      %dma_wait3A_51 = tpu.memref_squeeze %dma_wait3A_50 : memref<1x128x144xf32, #tpu.memory_space<hbm>> -> memref<128x144xf32, #tpu.memory_space<hbm>>
      %dma_wait3A_52 = arith.constant 0 : i32
      %dma_wait3A_53 = tpu.memref_slice %arg8[%add3A_27, %dma_wait3A_52] : memref<10016x144xf32, #tpu.memory_space<vmem_shared>> -> memref<128x144xf32, #tpu.memory_space<vmem_shared>>
      tpu.wait_dma2 semaphore(%run_scoped3A : memref<!tpu.dma_semaphore, #tpu.memory_space<semaphore_mem>>) src(%dma_wait3A_53 : memref<128x144xf32, #tpu.memory_space<vmem_shared>>) dst(%dma_wait3A_51 : memref<128x144xf32, #tpu.memory_space<hbm>>)
      tpu.yield
    }) : () -> ()
    %add3A_30 = arith.constant 128 : i32
    %add3A_31 = arith.addi %min3A_8, %add3A_30 : i32
    %add3A_32 = arith.constant 128 : i32
    %add3A_33 = arith.addi %min3A_8, %add3A_32 : i32
    "tpu.region"() ({
      %run_scoped3A = tpu.sem_alloc : memref<!tpu.dma_semaphore, #tpu.memory_space<semaphore_mem>>
      %dma_start3A = arith.constant 0 : i32
      %dma_start3A_46 = tpu.memref_slice %arg7[%arg0, %add3A_33, %dma_start3A] : memref<2x10016x144xf32, #tpu.memory_space<hbm>> -> memref<1x128x144xf32, #tpu.memory_space<hbm>>
      %dma_start3A_47 = tpu.memref_squeeze %dma_start3A_46 : memref<1x128x144xf32, #tpu.memory_space<hbm>> -> memref<128x144xf32, #tpu.memory_space<hbm>>
      %dma_start3A_48 = arith.constant 0 : i32
      %dma_start3A_49 = tpu.memref_slice %arg8[%add3A_31, %dma_start3A_48] : memref<10016x144xf32, #tpu.memory_space<vmem_shared>> -> memref<128x144xf32, #tpu.memory_space<vmem_shared>>
      tpu.enqueue_dma source(%dma_start3A_49 : memref<128x144xf32, #tpu.memory_space<vmem_shared>>) target(%dma_start3A_47 : memref<128x144xf32, #tpu.memory_space<hbm>>) target_semaphore(%run_scoped3A : memref<!tpu.dma_semaphore, #tpu.memory_space<semaphore_mem>>)
      %dma_wait3A = arith.constant 0 : i32
      %dma_wait3A_50 = tpu.memref_slice %arg7[%arg0, %add3A_33, %dma_wait3A] : memref<2x10016x144xf32, #tpu.memory_space<hbm>> -> memref<1x128x144xf32, #tpu.memory_space<hbm>>
      %dma_wait3A_51 = tpu.memref_squeeze %dma_wait3A_50 : memref<1x128x144xf32, #tpu.memory_space<hbm>> -> memref<128x144xf32, #tpu.memory_space<hbm>>
      %dma_wait3A_52 = arith.constant 0 : i32
      %dma_wait3A_53 = tpu.memref_slice %arg8[%add3A_31, %dma_wait3A_52] : memref<10016x144xf32, #tpu.memory_space<vmem_shared>> -> memref<128x144xf32, #tpu.memory_space<vmem_shared>>
      tpu.wait_dma2 semaphore(%run_scoped3A : memref<!tpu.dma_semaphore, #tpu.memory_space<semaphore_mem>>) src(%dma_wait3A_53 : memref<128x144xf32, #tpu.memory_space<vmem_shared>>) dst(%dma_wait3A_51 : memref<128x144xf32, #tpu.memory_space<hbm>>)
      tpu.yield
    }) : () -> ()
    %add3A_34 = arith.constant 256 : i32
    %add3A_35 = arith.addi %min3A_8, %add3A_34 : i32
    %add3A_36 = arith.constant 256 : i32
    %add3A_37 = arith.addi %min3A_8, %add3A_36 : i32
    "tpu.region"() ({
      %run_scoped3A = tpu.sem_alloc : memref<!tpu.dma_semaphore, #tpu.memory_space<semaphore_mem>>
      %dma_start3A = arith.constant 0 : i32
      %dma_start3A_46 = tpu.memref_slice %arg7[%arg0, %add3A_37, %dma_start3A] : memref<2x10016x144xf32, #tpu.memory_space<hbm>> -> memref<1x128x144xf32, #tpu.memory_space<hbm>>
      %dma_start3A_47 = tpu.memref_squeeze %dma_start3A_46 : memref<1x128x144xf32, #tpu.memory_space<hbm>> -> memref<128x144xf32, #tpu.memory_space<hbm>>
      %dma_start3A_48 = arith.constant 0 : i32
      %dma_start3A_49 = tpu.memref_slice %arg8[%add3A_35, %dma_start3A_48] : memref<10016x144xf32, #tpu.memory_space<vmem_shared>> -> memref<128x144xf32, #tpu.memory_space<vmem_shared>>
      tpu.enqueue_dma source(%dma_start3A_49 : memref<128x144xf32, #tpu.memory_space<vmem_shared>>) target(%dma_start3A_47 : memref<128x144xf32, #tpu.memory_space<hbm>>) target_semaphore(%run_scoped3A : memref<!tpu.dma_semaphore, #tpu.memory_space<semaphore_mem>>)
      %dma_wait3A = arith.constant 0 : i32
      %dma_wait3A_50 = tpu.memref_slice %arg7[%arg0, %add3A_37, %dma_wait3A] : memref<2x10016x144xf32, #tpu.memory_space<hbm>> -> memref<1x128x144xf32, #tpu.memory_space<hbm>>
      %dma_wait3A_51 = tpu.memref_squeeze %dma_wait3A_50 : memref<1x128x144xf32, #tpu.memory_space<hbm>> -> memref<128x144xf32, #tpu.memory_space<hbm>>
      %dma_wait3A_52 = arith.constant 0 : i32
      %dma_wait3A_53 = tpu.memref_slice %arg8[%add3A_35, %dma_wait3A_52] : memref<10016x144xf32, #tpu.memory_space<vmem_shared>> -> memref<128x144xf32, #tpu.memory_space<vmem_shared>>
      tpu.wait_dma2 semaphore(%run_scoped3A : memref<!tpu.dma_semaphore, #tpu.memory_space<semaphore_mem>>) src(%dma_wait3A_53 : memref<128x144xf32, #tpu.memory_space<vmem_shared>>) dst(%dma_wait3A_51 : memref<128x144xf32, #tpu.memory_space<hbm>>)
      tpu.yield
    }) : () -> ()
    %add3A_38 = arith.constant 384 : i32
    %add3A_39 = arith.addi %min3A_8, %add3A_38 : i32
    %add3A_40 = arith.constant 384 : i32
    %add3A_41 = arith.addi %min3A_8, %add3A_40 : i32
    "tpu.region"() ({
      %run_scoped3A = tpu.sem_alloc : memref<!tpu.dma_semaphore, #tpu.memory_space<semaphore_mem>>
      %dma_start3A = arith.constant 0 : i32
      %dma_start3A_46 = tpu.memref_slice %arg7[%arg0, %add3A_41, %dma_start3A] : memref<2x10016x144xf32, #tpu.memory_space<hbm>> -> memref<1x128x144xf32, #tpu.memory_space<hbm>>
      %dma_start3A_47 = tpu.memref_squeeze %dma_start3A_46 : memref<1x128x144xf32, #tpu.memory_space<hbm>> -> memref<128x144xf32, #tpu.memory_space<hbm>>
      %dma_start3A_48 = arith.constant 0 : i32
      %dma_start3A_49 = tpu.memref_slice %arg8[%add3A_39, %dma_start3A_48] : memref<10016x144xf32, #tpu.memory_space<vmem_shared>> -> memref<128x144xf32, #tpu.memory_space<vmem_shared>>
      tpu.enqueue_dma source(%dma_start3A_49 : memref<128x144xf32, #tpu.memory_space<vmem_shared>>) target(%dma_start3A_47 : memref<128x144xf32, #tpu.memory_space<hbm>>) target_semaphore(%run_scoped3A : memref<!tpu.dma_semaphore, #tpu.memory_space<semaphore_mem>>)
      %dma_wait3A = arith.constant 0 : i32
      %dma_wait3A_50 = tpu.memref_slice %arg7[%arg0, %add3A_41, %dma_wait3A] : memref<2x10016x144xf32, #tpu.memory_space<hbm>> -> memref<1x128x144xf32, #tpu.memory_space<hbm>>
      %dma_wait3A_51 = tpu.memref_squeeze %dma_wait3A_50 : memref<1x128x144xf32, #tpu.memory_space<hbm>> -> memref<128x144xf32, #tpu.memory_space<hbm>>
      %dma_wait3A_52 = arith.constant 0 : i32
      %dma_wait3A_53 = tpu.memref_slice %arg8[%add3A_39, %dma_wait3A_52] : memref<10016x144xf32, #tpu.memory_space<vmem_shared>> -> memref<128x144xf32, #tpu.memory_space<vmem_shared>>
      tpu.wait_dma2 semaphore(%run_scoped3A : memref<!tpu.dma_semaphore, #tpu.memory_space<semaphore_mem>>) src(%dma_wait3A_53 : memref<128x144xf32, #tpu.memory_space<vmem_shared>>) dst(%dma_wait3A_51 : memref<128x144xf32, #tpu.memory_space<hbm>>)
      tpu.yield
    }) : () -> ()
    %add3A_42 = arith.constant 512 : i32
    %add3A_43 = arith.addi %min3A_8, %add3A_42 : i32
    %add3A_44 = arith.constant 512 : i32
    %add3A_45 = arith.addi %min3A_8, %add3A_44 : i32
    "tpu.region"() ({
      %run_scoped3A = tpu.sem_alloc : memref<!tpu.dma_semaphore, #tpu.memory_space<semaphore_mem>>
      %dma_start3A = arith.constant 0 : i32
      %dma_start3A_46 = tpu.memref_slice %arg7[%arg0, %add3A_45, %dma_start3A] : memref<2x10016x144xf32, #tpu.memory_space<hbm>> -> memref<1x128x144xf32, #tpu.memory_space<hbm>>
      %dma_start3A_47 = tpu.memref_squeeze %dma_start3A_46 : memref<1x128x144xf32, #tpu.memory_space<hbm>> -> memref<128x144xf32, #tpu.memory_space<hbm>>
      %dma_start3A_48 = arith.constant 0 : i32
      %dma_start3A_49 = tpu.memref_slice %arg8[%add3A_43, %dma_start3A_48] : memref<10016x144xf32, #tpu.memory_space<vmem_shared>> -> memref<128x144xf32, #tpu.memory_space<vmem_shared>>
      tpu.enqueue_dma source(%dma_start3A_49 : memref<128x144xf32, #tpu.memory_space<vmem_shared>>) target(%dma_start3A_47 : memref<128x144xf32, #tpu.memory_space<hbm>>) target_semaphore(%run_scoped3A : memref<!tpu.dma_semaphore, #tpu.memory_space<semaphore_mem>>)
      %dma_wait3A = arith.constant 0 : i32
      %dma_wait3A_50 = tpu.memref_slice %arg7[%arg0, %add3A_45, %dma_wait3A] : memref<2x10016x144xf32, #tpu.memory_space<hbm>> -> memref<1x128x144xf32, #tpu.memory_space<hbm>>
      %dma_wait3A_51 = tpu.memref_squeeze %dma_wait3A_50 : memref<1x128x144xf32, #tpu.memory_space<hbm>> -> memref<128x144xf32, #tpu.memory_space<hbm>>
      %dma_wait3A_52 = arith.constant 0 : i32
      %dma_wait3A_53 = tpu.memref_slice %arg8[%add3A_43, %dma_wait3A_52] : memref<10016x144xf32, #tpu.memory_space<vmem_shared>> -> memref<128x144xf32, #tpu.memory_space<vmem_shared>>
      tpu.wait_dma2 semaphore(%run_scoped3A : memref<!tpu.dma_semaphore, #tpu.memory_space<semaphore_mem>>) src(%dma_wait3A_53 : memref<128x144xf32, #tpu.memory_space<vmem_shared>>) dst(%dma_wait3A_51 : memref<128x144xf32, #tpu.memory_space<hbm>>)
      tpu.yield
    }) : () -> ()
    return
  }
}

module attributes {stable_mosaic.version = 14 : i64} {
  func.func @_proj_body(%arg0: i32, %arg1: memref<1000x128xf32, #tpu.memory_space<vmem>>, %arg2: memref<128x128xf32, #tpu.memory_space<vmem>>, %arg3: memref<128x16xf32, #tpu.memory_space<vmem>>, %arg4: memref<128x16xf32, #tpu.memory_space<vmem>>, %arg5: memref<1000x128xf32, #tpu.memory_space<vmem>>, %arg6: memref<1000x16xf32, #tpu.memory_space<vmem>>, %arg7: memref<1000x16xf32, #tpu.memory_space<vmem>>) attributes {dimension_semantics = [#tpu.dimension_semantics<arbitrary>], iteration_bounds = array<i64: 10>, scalar_prefetch = 0 : i64, scratch_operands = 0 : i64, tpu.core_type = #tpu.core_type<tc>, window_params = [{transform_indices = @transform_0, window_bounds = array<i64: 1000, 128>}, {pipeline_mode = #tpu.pipeline_mode<synchronous>, transform_indices = @transform_1, window_bounds = array<i64: 128, 128>}, {pipeline_mode = #tpu.pipeline_mode<synchronous>, transform_indices = @transform_2, window_bounds = array<i64: 128, 16>}, {pipeline_mode = #tpu.pipeline_mode<synchronous>, transform_indices = @transform_3, window_bounds = array<i64: 128, 16>}, {transform_indices = @transform_4, window_bounds = array<i64: 1000, 128>}, {transform_indices = @transform_5, window_bounds = array<i64: 1000, 16>}, {transform_indices = @transform_6, window_bounds = array<i64: 1000, 16>}]} {
    %get3A = arith.constant 0 : index
    %get3A_0 = arith.constant 0 : index
    %get3A_1 = vector.load %arg1[%get3A, %get3A_0] : memref<1000x128xf32, #tpu.memory_space<vmem>>, vector<1000x128xf32>
    %get3A_2 = arith.constant 0 : index
    %get3A_3 = arith.constant 0 : index
    %get3A_4 = vector.load %arg2[%get3A_2, %get3A_3] : memref<128x128xf32, #tpu.memory_space<vmem>>, vector<128x128xf32>
    %dot_general3A = arith.constant dense<0.000000e+00> : vector<1000x128xf32>
    %dot_general3A_5 = tpu.matmul %get3A_1, %get3A_4, %dot_general3A {dimension_numbers = #tpu.dot_dimension_numbers<[1], [0], [0], [1], [0, 0, 1, 1], [], []>, transpose_lhs_hint = false} : vector<1000x128xf32>, vector<128x128xf32>, vector<1000x128xf32> -> vector<1000x128xf32>
    %swap3A = arith.constant 0 : index
    %swap3A_6 = arith.constant 0 : index
    %swap3A_7 = vector.load %arg5[%swap3A, %swap3A_6] : memref<1000x128xf32, #tpu.memory_space<vmem>>, vector<1000x128xf32>
    tpu.vector_store %arg5[%swap3A, %swap3A_6], %dot_general3A_5 {strides = array<i32>} : memref<1000x128xf32, #tpu.memory_space<vmem>>, vector<1000x128xf32>,
    %get3A_8 = arith.constant 0 : index
    %get3A_9 = arith.constant 0 : index
    %get3A_10 = vector.load %arg3[%get3A_8, %get3A_9] : memref<128x16xf32, #tpu.memory_space<vmem>>, vector<128x16xf32>
    %dot_general3A_11 = arith.constant dense<0.000000e+00> : vector<1000x16xf32>
    %dot_general3A_12 = tpu.matmul %dot_general3A_5, %get3A_10, %dot_general3A_11 {dimension_numbers = #tpu.dot_dimension_numbers<[1], [0], [0], [1], [0, 0, 1, 1], [], []>, transpose_lhs_hint = false} : vector<1000x128xf32>, vector<128x16xf32>, vector<1000x16xf32> -> vector<1000x16xf32>
    %swap3A_13 = arith.constant 0 : index
    %swap3A_14 = arith.constant 0 : index
    %swap3A_15 = vector.load %arg6[%swap3A_13, %swap3A_14] : memref<1000x16xf32, #tpu.memory_space<vmem>>, vector<1000x16xf32>
    tpu.vector_store %arg6[%swap3A_13, %swap3A_14], %dot_general3A_12 {strides = array<i32>} : memref<1000x16xf32, #tpu.memory_space<vmem>>, vector<1000x16xf32>,
    %get3A_16 = arith.constant 0 : index
    %get3A_17 = arith.constant 0 : index
    %get3A_18 = vector.load %arg4[%get3A_16, %get3A_17] : memref<128x16xf32, #tpu.memory_space<vmem>>, vector<128x16xf32>
    %dot_general3A_19 = arith.constant dense<0.000000e+00> : vector<1000x16xf32>
    %dot_general3A_20 = tpu.matmul %dot_general3A_5, %get3A_18, %dot_general3A_19 {dimension_numbers = #tpu.dot_dimension_numbers<[1], [0], [0], [1], [0, 0, 1, 1], [], []>, transpose_lhs_hint = false} : vector<1000x128xf32>, vector<128x16xf32>, vector<1000x16xf32> -> vector<1000x16xf32>
    %swap3A_21 = arith.constant 0 : index
    %swap3A_22 = arith.constant 0 : index
    %swap3A_23 = vector.load %arg7[%swap3A_21, %swap3A_22] : memref<1000x16xf32, #tpu.memory_space<vmem>>, vector<1000x16xf32>
    tpu.vector_store %arg7[%swap3A_21, %swap3A_22], %dot_general3A_20 {strides = array<i32>} : memref<1000x16xf32, #tpu.memory_space<vmem>>, vector<1000x16xf32>,
    return
  }
  func.func @transform_0(%arg0: i32) -> (i32, i32) {
    %c0_i32 = arith.constant 0 : i32
    %c0_i32_0 = arith.constant 0 : i32
    return %arg0, %c0_i32 : i32, i32
  }
  func.func @transform_1(%arg0: i32) -> (i32, i32) {
    %c0_i32 = arith.constant 0 : i32
    %c0_i32_0 = arith.constant 0 : i32
    %c0_i32_1 = arith.constant 0 : i32
    return %c0_i32, %c0_i32_0 : i32, i32
  }
  func.func @transform_2(%arg0: i32) -> (i32, i32) {
    %c0_i32 = arith.constant 0 : i32
    %c0_i32_0 = arith.constant 0 : i32
    %c0_i32_1 = arith.constant 0 : i32
    return %c0_i32, %c0_i32_0 : i32, i32
  }
  func.func @transform_3(%arg0: i32) -> (i32, i32) {
    %c0_i32 = arith.constant 0 : i32
    %c0_i32_0 = arith.constant 0 : i32
    %c0_i32_1 = arith.constant 0 : i32
    return %c0_i32, %c0_i32_0 : i32, i32
  }
  func.func @transform_4(%arg0: i32) -> (i32, i32) {
    %c0_i32 = arith.constant 0 : i32
    %c0_i32_0 = arith.constant 0 : i32
    return %arg0, %c0_i32 : i32, i32
  }
  func.func @transform_5(%arg0: i32) -> (i32, i32) {
    %c0_i32 = arith.constant 0 : i32
    %c0_i32_0 = arith.constant 0 : i32
    return %arg0, %c0_i32 : i32, i32
  }
  func.func @transform_6(%arg0: i32) -> (i32, i32) {
    %c0_i32 = arith.constant 0 : i32
    %c0_i32_0 = arith.constant 0 : i32
    return %arg0, %c0_i32 : i32, i32
  }
}

module attributes {stable_mosaic.version = 14 : i64} {
  func.func @_comb_proj_body(%arg0: i32, %arg1: memref<1000x144xf32, #tpu.memory_space<vmem>>, %arg2: memref<1000x144xf32, #tpu.memory_space<vmem>>, %arg3: memref<1x128xf32, #tpu.memory_space<vmem>>, %arg4: memref<1x128xf32, #tpu.memory_space<vmem>>, %arg5: memref<128x128xf32, #tpu.memory_space<vmem>>, %arg6: memref<128x16xf32, #tpu.memory_space<vmem>>, %arg7: memref<128x16xf32, #tpu.memory_space<vmem>>, %arg8: memref<1000x128xf32, #tpu.memory_space<vmem>>, %arg9: memref<1000x16xf32, #tpu.memory_space<vmem>>, %arg10: memref<1000x16xf32, #tpu.memory_space<vmem>>) attributes {dimension_semantics = [#tpu.dimension_semantics<arbitrary>], iteration_bounds = array<i64: 10>, scalar_prefetch = 0 : i64, scratch_operands = 0 : i64, tpu.core_type = #tpu.core_type<tc>, window_params = [{transform_indices = @transform_0, window_bounds = array<i64: 1000, 144>}, {transform_indices = @transform_1, window_bounds = array<i64: 1000, 144>}, {pipeline_mode = #tpu.pipeline_mode<synchronous>, transform_indices = @transform_2, window_bounds = array<i64: 1, 128>}, {pipeline_mode = #tpu.pipeline_mode<synchronous>, transform_indices = @transform_3, window_bounds = array<i64: 1, 128>}, {pipeline_mode = #tpu.pipeline_mode<synchronous>, transform_indices = @transform_4, window_bounds = array<i64: 128, 128>}, {pipeline_mode = #tpu.pipeline_mode<synchronous>, transform_indices = @transform_5, window_bounds = array<i64: 128, 16>}, {pipeline_mode = #tpu.pipeline_mode<synchronous>, transform_indices = @transform_6, window_bounds = array<i64: 128, 16>}, {transform_indices = @transform_7, window_bounds = array<i64: 1000, 128>}, {transform_indices = @transform_8, window_bounds = array<i64: 1000, 16>}, {transform_indices = @transform_9, window_bounds = array<i64: 1000, 16>}]} {
    %get3A = arith.constant 0 : index
    %get3A_0 = arith.constant 0 : index
    %get3A_1 = vector.load %arg1[%get3A, %get3A_0] : memref<1000x144xf32, #tpu.memory_space<vmem>>, vector<1000x144xf32>
    %get3A_2 = arith.constant 0 : index
    %get3A_3 = arith.constant 0 : index
    %get3A_4 = vector.load %arg2[%get3A_2, %get3A_3] : memref<1000x144xf32, #tpu.memory_space<vmem>>, vector<1000x144xf32>
    %get3A_5 = arith.constant 0 : index
    %get3A_6 = arith.constant 0 : index
    %get3A_7 = vector.load %arg3[%get3A_5, %get3A_6] : memref<1x128xf32, #tpu.memory_space<vmem>>, vector<1x128xf32>
    %get3A_8 = arith.constant 0 : index
    %get3A_9 = arith.constant 0 : index
    %get3A_10 = vector.load %arg4[%get3A_8, %get3A_9] : memref<1x128xf32, #tpu.memory_space<vmem>>, vector<1x128xf32>
    %slice3A = vector.extract_strided_slice %get3A_1 {offsets = [0, 0], sizes = [1000, 128], strides = [1, 1]} : vector<1000x144xf32> to vector<1000x128xf32>
    %slice3A_11 = vector.extract_strided_slice %get3A_4 {offsets = [0, 0], sizes = [1000, 128], strides = [1, 1]} : vector<1000x144xf32> to vector<1000x128xf32>
    %add3A = arith.addf %slice3A, %slice3A_11 : vector<1000x128xf32>
    %reshape3A = vector.shape_cast %add3A : vector<1000x128xf32> to vector<1000x4x32xf32>
    %slice3A_12 = vector.extract_strided_slice %get3A_1 {offsets = [0, 128], sizes = [1000, 4], strides = [1, 1]} : vector<1000x144xf32> to vector<1000x4xf32>
    %slice3A_13 = vector.extract_strided_slice %get3A_4 {offsets = [0, 128], sizes = [1000, 4], strides = [1, 1]} : vector<1000x144xf32> to vector<1000x4xf32>
    %add3A_14 = arith.addf %slice3A_12, %slice3A_13 : vector<1000x4xf32>
    %broadcast_in_dim3A = vector.shape_cast %add3A_14 : vector<1000x4xf32> to vector<1000x4x1xf32>
    %add3A_15 = arith.constant 1.000000e-16 : f32
    %add3A_16 = vector.broadcast %add3A_15 : f32 to vector<1000x4x1xf32>
    %add3A_17 = arith.addf %broadcast_in_dim3A, %add3A_16 : vector<1000x4x1xf32>
    %div3A = vector.broadcast %add3A_17 : vector<1000x4x1xf32> to vector<1000x4x32xf32>
    %div3A_18 = arith.divf %reshape3A, %div3A : vector<1000x4x32xf32>
    %reshape3A_19 = vector.shape_cast %div3A_18 : vector<1000x4x32xf32> to vector<1000x128xf32>
    %mul3A = vector.broadcast %get3A_7 : vector<1x128xf32> to vector<1000x128xf32>
    %mul3A_20 = arith.mulf %reshape3A_19, %mul3A : vector<1000x128xf32>
    %add3A_21 = vector.broadcast %get3A_10 : vector<1x128xf32> to vector<1000x128xf32>
    %add3A_22 = arith.addf %mul3A_20, %add3A_21 : vector<1000x128xf32>
    %max3A = arith.constant 0.000000e+00 : f32
    %max3A_23 = vector.broadcast %max3A : f32 to vector<1000x128xf32>
    %max3A_24 = arith.maximumf %add3A_22, %max3A_23 : vector<1000x128xf32>
    %get3A_25 = arith.constant 0 : index
    %get3A_26 = arith.constant 0 : index
    %get3A_27 = vector.load %arg5[%get3A_25, %get3A_26] : memref<128x128xf32, #tpu.memory_space<vmem>>, vector<128x128xf32>
    %dot_general3A = arith.constant dense<0.000000e+00> : vector<1000x128xf32>
    %dot_general3A_28 = tpu.matmul %max3A_24, %get3A_27, %dot_general3A {dimension_numbers = #tpu.dot_dimension_numbers<[1], [0], [0], [1], [0, 0, 1, 1], [], []>, transpose_lhs_hint = false} : vector<1000x128xf32>, vector<128x128xf32>, vector<1000x128xf32> -> vector<1000x128xf32>
    %swap3A = arith.constant 0 : index
    %swap3A_29 = arith.constant 0 : index
    %swap3A_30 = vector.load %arg8[%swap3A, %swap3A_29] : memref<1000x128xf32, #tpu.memory_space<vmem>>, vector<1000x128xf32>
    tpu.vector_store %arg8[%swap3A, %swap3A_29], %dot_general3A_28 {strides = array<i32>} : memref<1000x128xf32, #tpu.memory_space<vmem>>, vector<1000x128xf32>,
    %get3A_31 = arith.constant 0 : index
    %get3A_32 = arith.constant 0 : index
    %get3A_33 = vector.load %arg6[%get3A_31, %get3A_32] : memref<128x16xf32, #tpu.memory_space<vmem>>, vector<128x16xf32>
    %dot_general3A_34 = arith.constant dense<0.000000e+00> : vector<1000x16xf32>
    %dot_general3A_35 = tpu.matmul %dot_general3A_28, %get3A_33, %dot_general3A_34 {dimension_numbers = #tpu.dot_dimension_numbers<[1], [0], [0], [1], [0, 0, 1, 1], [], []>, transpose_lhs_hint = false} : vector<1000x128xf32>, vector<128x16xf32>, vector<1000x16xf32> -> vector<1000x16xf32>
    %swap3A_36 = arith.constant 0 : index
    %swap3A_37 = arith.constant 0 : index
    %swap3A_38 = vector.load %arg9[%swap3A_36, %swap3A_37] : memref<1000x16xf32, #tpu.memory_space<vmem>>, vector<1000x16xf32>
    tpu.vector_store %arg9[%swap3A_36, %swap3A_37], %dot_general3A_35 {strides = array<i32>} : memref<1000x16xf32, #tpu.memory_space<vmem>>, vector<1000x16xf32>,
    %get3A_39 = arith.constant 0 : index
    %get3A_40 = arith.constant 0 : index
    %get3A_41 = vector.load %arg7[%get3A_39, %get3A_40] : memref<128x16xf32, #tpu.memory_space<vmem>>, vector<128x16xf32>
    %dot_general3A_42 = arith.constant dense<0.000000e+00> : vector<1000x16xf32>
    %dot_general3A_43 = tpu.matmul %dot_general3A_28, %get3A_41, %dot_general3A_42 {dimension_numbers = #tpu.dot_dimension_numbers<[1], [0], [0], [1], [0, 0, 1, 1], [], []>, transpose_lhs_hint = false} : vector<1000x128xf32>, vector<128x16xf32>, vector<1000x16xf32> -> vector<1000x16xf32>
    %swap3A_44 = arith.constant 0 : index
    %swap3A_45 = arith.constant 0 : index
    %swap3A_46 = vector.load %arg10[%swap3A_44, %swap3A_45] : memref<1000x16xf32, #tpu.memory_space<vmem>>, vector<1000x16xf32>
    tpu.vector_store %arg10[%swap3A_44, %swap3A_45], %dot_general3A_43 {strides = array<i32>} : memref<1000x16xf32, #tpu.memory_space<vmem>>, vector<1000x16xf32>,
    return
  }
  func.func @transform_0(%arg0: i32) -> (i32, i32) {
    %c0_i32 = arith.constant 0 : i32
    %c0_i32_0 = arith.constant 0 : i32
    return %arg0, %c0_i32 : i32, i32
  }
  func.func @transform_1(%arg0: i32) -> (i32, i32) {
    %c0_i32 = arith.constant 0 : i32
    %c0_i32_0 = arith.constant 0 : i32
    return %arg0, %c0_i32 : i32, i32
  }
  func.func @transform_2(%arg0: i32) -> (i32, i32) {
    %c0_i32 = arith.constant 0 : i32
    %c0_i32_0 = arith.constant 0 : i32
    %c0_i32_1 = arith.constant 0 : i32
    return %c0_i32, %c0_i32_0 : i32, i32
  }
  func.func @transform_3(%arg0: i32) -> (i32, i32) {
    %c0_i32 = arith.constant 0 : i32
    %c0_i32_0 = arith.constant 0 : i32
    %c0_i32_1 = arith.constant 0 : i32
    return %c0_i32, %c0_i32_0 : i32, i32
  }
  func.func @transform_4(%arg0: i32) -> (i32, i32) {
    %c0_i32 = arith.constant 0 : i32
    %c0_i32_0 = arith.constant 0 : i32
    %c0_i32_1 = arith.constant 0 : i32
    return %c0_i32, %c0_i32_0 : i32, i32
  }
  func.func @transform_5(%arg0: i32) -> (i32, i32) {
    %c0_i32 = arith.constant 0 : i32
    %c0_i32_0 = arith.constant 0 : i32
    %c0_i32_1 = arith.constant 0 : i32
    return %c0_i32, %c0_i32_0 : i32, i32
  }
  func.func @transform_6(%arg0: i32) -> (i32, i32) {
    %c0_i32 = arith.constant 0 : i32
    %c0_i32_0 = arith.constant 0 : i32
    %c0_i32_1 = arith.constant 0 : i32
    return %c0_i32, %c0_i32_0 : i32, i32
  }
  func.func @transform_7(%arg0: i32) -> (i32, i32) {
    %c0_i32 = arith.constant 0 : i32
    %c0_i32_0 = arith.constant 0 : i32
    return %arg0, %c0_i32 : i32, i32
  }
  func.func @transform_8(%arg0: i32) -> (i32, i32) {
    %c0_i32 = arith.constant 0 : i32
    %c0_i32_0 = arith.constant 0 : i32
    return %arg0, %c0_i32 : i32, i32
  }
  func.func @transform_9(%arg0: i32) -> (i32, i32) {
    %c0_i32 = arith.constant 0 : i32
    %c0_i32_0 = arith.constant 0 : i32
    return %arg0, %c0_i32 : i32, i32
  }
}

module attributes {stable_mosaic.version = 14 : i64} {
  func.func @_comb_pool_body(%arg0: i32, %arg1: memref<1000x144xf32, #tpu.memory_space<vmem>>, %arg2: memref<1000x144xf32, #tpu.memory_space<vmem>>, %arg3: memref<1x128xf32, #tpu.memory_space<vmem>>, %arg4: memref<1x128xf32, #tpu.memory_space<vmem>>, %arg5: memref<1x1x1000xi32, #tpu.memory_space<vmem>>, %arg6: memref<64x128xf32, #tpu.memory_space<vmem>>) attributes {dimension_semantics = [#tpu.dimension_semantics<arbitrary>], iteration_bounds = array<i64: 10>, scalar_prefetch = 0 : i64, scratch_operands = 0 : i64, tpu.core_type = #tpu.core_type<tc>, window_params = [{transform_indices = @transform_0, window_bounds = array<i64: 1000, 144>}, {transform_indices = @transform_1, window_bounds = array<i64: 1000, 144>}, {pipeline_mode = #tpu.pipeline_mode<synchronous>, transform_indices = @transform_2, window_bounds = array<i64: 1, 128>}, {pipeline_mode = #tpu.pipeline_mode<synchronous>, transform_indices = @transform_3, window_bounds = array<i64: 1, 128>}, {transform_indices = @transform_4, window_bounds = array<i64: 1, 1, 1000>}, {pipeline_mode = #tpu.pipeline_mode<synchronous>, transform_indices = @transform_5, window_bounds = array<i64: 64, 128>}]} {
    %get3A = arith.constant 0 : index
    %get3A_0 = arith.constant 0 : index
    %get3A_1 = vector.load %arg1[%get3A, %get3A_0] : memref<1000x144xf32, #tpu.memory_space<vmem>>, vector<1000x144xf32>
    %get3A_2 = arith.constant 0 : index
    %get3A_3 = arith.constant 0 : index
    %get3A_4 = vector.load %arg2[%get3A_2, %get3A_3] : memref<1000x144xf32, #tpu.memory_space<vmem>>, vector<1000x144xf32>
    %get3A_5 = arith.constant 0 : index
    %get3A_6 = arith.constant 0 : index
    %get3A_7 = vector.load %arg3[%get3A_5, %get3A_6] : memref<1x128xf32, #tpu.memory_space<vmem>>, vector<1x128xf32>
    %get3A_8 = arith.constant 0 : index
    %get3A_9 = arith.constant 0 : index
    %get3A_10 = vector.load %arg4[%get3A_8, %get3A_9] : memref<1x128xf32, #tpu.memory_space<vmem>>, vector<1x128xf32>
    %slice3A = vector.extract_strided_slice %get3A_1 {offsets = [0, 0], sizes = [1000, 128], strides = [1, 1]} : vector<1000x144xf32> to vector<1000x128xf32>
    %slice3A_11 = vector.extract_strided_slice %get3A_4 {offsets = [0, 0], sizes = [1000, 128], strides = [1, 1]} : vector<1000x144xf32> to vector<1000x128xf32>
    %add3A = arith.addf %slice3A, %slice3A_11 : vector<1000x128xf32>
    %reshape3A = vector.shape_cast %add3A : vector<1000x128xf32> to vector<1000x4x32xf32>
    %slice3A_12 = vector.extract_strided_slice %get3A_1 {offsets = [0, 128], sizes = [1000, 4], strides = [1, 1]} : vector<1000x144xf32> to vector<1000x4xf32>
    %slice3A_13 = vector.extract_strided_slice %get3A_4 {offsets = [0, 128], sizes = [1000, 4], strides = [1, 1]} : vector<1000x144xf32> to vector<1000x4xf32>
    %add3A_14 = arith.addf %slice3A_12, %slice3A_13 : vector<1000x4xf32>
    %broadcast_in_dim3A = vector.shape_cast %add3A_14 : vector<1000x4xf32> to vector<1000x4x1xf32>
    %add3A_15 = arith.constant 1.000000e-16 : f32
    %add3A_16 = vector.broadcast %add3A_15 : f32 to vector<1000x4x1xf32>
    %add3A_17 = arith.addf %broadcast_in_dim3A, %add3A_16 : vector<1000x4x1xf32>
    %div3A = vector.broadcast %add3A_17 : vector<1000x4x1xf32> to vector<1000x4x32xf32>
    %div3A_18 = arith.divf %reshape3A, %div3A : vector<1000x4x32xf32>
    %reshape3A_19 = vector.shape_cast %div3A_18 : vector<1000x4x32xf32> to vector<1000x128xf32>
    %mul3A = vector.broadcast %get3A_7 : vector<1x128xf32> to vector<1000x128xf32>
    %mul3A_20 = arith.mulf %reshape3A_19, %mul3A : vector<1000x128xf32>
    %add3A_21 = vector.broadcast %get3A_10 : vector<1x128xf32> to vector<1000x128xf32>
    %add3A_22 = arith.addf %mul3A_20, %add3A_21 : vector<1000x128xf32>
    %max3A = arith.constant 0.000000e+00 : f32
    %max3A_23 = vector.broadcast %max3A : f32 to vector<1000x128xf32>
    %max3A_24 = arith.maximumf %add3A_22, %max3A_23 : vector<1000x128xf32>
    %get3A_25 = arith.constant 0 : index
    %get3A_26 = arith.constant 0 : index
    %get3A_27 = arith.constant 0 : index
    %get3A_28 = vector.load %arg5[%get3A_25, %get3A_26, %get3A_27] : memref<1x1x1000xi32, #tpu.memory_space<vmem>>, vector<1x1x1000xi32>
    %reshape3A_29 = vector.shape_cast %get3A_28 : vector<1x1x1000xi32> to vector<1x1000xi32>
    %iota3A = tpu.iota {dimensions = array<i32: 0>} : vector<64x1000xi32>
    %eq3A = vector.broadcast %reshape3A_29 : vector<1x1000xi32> to vector<64x1000xi32>
    %eq3A_30 = arith.cmpi eq, %eq3A, %iota3A : vector<64x1000xi32>
    %convert_element_type3A = arith.extui %eq3A_30 : vector<64x1000xi1> to vector<64x1000xi32>
    %convert_element_type3A_31 = arith.sitofp %convert_element_type3A : vector<64x1000xi32> to vector<64x1000xf32>
    %dot_general3A = arith.constant dense<0.000000e+00> : vector<64x128xf32>
    %dot_general3A_32 = tpu.matmul %convert_element_type3A_31, %max3A_24, %dot_general3A {dimension_numbers = #tpu.dot_dimension_numbers<[1], [0], [0], [1], [0, 0, 1, 1], [], []>, transpose_lhs_hint = false} : vector<64x1000xf32>, vector<1000x128xf32>, vector<64x128xf32> -> vector<64x128xf32>
    %eq3A_33 = arith.constant 0 : i32
    %eq3A_34 = arith.cmpi eq, %arg0, %eq3A_33 : i32
    %convert_element_type3A_35 = arith.extui %eq3A_34 : i1 to i32
    %cond3A = arith.constant 0 : i32
    %cond3A_36 = arith.cmpi ne, %convert_element_type3A_35, %cond3A : i32
    scf.if %cond3A_36 {
      %broadcast_in_dim3A_43 = arith.constant 0.000000e+00 : f32
      %broadcast_in_dim3A_44 = vector.broadcast %broadcast_in_dim3A_43 : f32 to vector<64x128xf32>
      %swap3A_45 = arith.constant 0 : index
      %swap3A_46 = arith.constant 0 : index
      %swap3A_47 = vector.load %arg6[%swap3A_45, %swap3A_46] : memref<64x128xf32, #tpu.memory_space<vmem>>, vector<64x128xf32>
      tpu.vector_store %arg6[%swap3A_45, %swap3A_46], %broadcast_in_dim3A_44 {strides = array<i32>} : memref<64x128xf32, #tpu.memory_space<vmem>>, vector<64x128xf32>,
    } else {
    }
    %get3A_37 = arith.constant 0 : index
    %get3A_38 = arith.constant 0 : index
    %get3A_39 = vector.load %arg6[%get3A_37, %get3A_38] : memref<64x128xf32, #tpu.memory_space<vmem>>, vector<64x128xf32>
    %add3A_40 = arith.addf %get3A_39, %dot_general3A_32 : vector<64x128xf32>
    %swap3A = arith.constant 0 : index
    %swap3A_41 = arith.constant 0 : index
    %swap3A_42 = vector.load %arg6[%swap3A, %swap3A_41] : memref<64x128xf32, #tpu.memory_space<vmem>>, vector<64x128xf32>
    tpu.vector_store %arg6[%swap3A, %swap3A_41], %add3A_40 {strides = array<i32>} : memref<64x128xf32, #tpu.memory_space<vmem>>, vector<64x128xf32>,
    return
  }
  func.func @transform_0(%arg0: i32) -> (i32, i32) {
    %c0_i32 = arith.constant 0 : i32
    %c0_i32_0 = arith.constant 0 : i32
    return %arg0, %c0_i32 : i32, i32
  }
  func.func @transform_1(%arg0: i32) -> (i32, i32) {
    %c0_i32 = arith.constant 0 : i32
    %c0_i32_0 = arith.constant 0 : i32
    return %arg0, %c0_i32 : i32, i32
  }
  func.func @transform_2(%arg0: i32) -> (i32, i32) {
    %c0_i32 = arith.constant 0 : i32
    %c0_i32_0 = arith.constant 0 : i32
    %c0_i32_1 = arith.constant 0 : i32
    return %c0_i32, %c0_i32_0 : i32, i32
  }
  func.func @transform_3(%arg0: i32) -> (i32, i32) {
    %c0_i32 = arith.constant 0 : i32
    %c0_i32_0 = arith.constant 0 : i32
    %c0_i32_1 = arith.constant 0 : i32
    return %c0_i32, %c0_i32_0 : i32, i32
  }
  func.func @transform_4(%arg0: i32) -> (i32, i32, i32) {
    %c0_i32 = arith.constant 0 : i32
    %c0_i32_0 = arith.constant 0 : i32
    %c0_i32_1 = arith.constant 0 : i32
    return %arg0, %c0_i32, %c0_i32_0 : i32, i32, i32
  }
  func.func @transform_5(%arg0: i32) -> (i32, i32) {
    %c0_i32 = arith.constant 0 : i32
    %c0_i32_0 = arith.constant 0 : i32
    %c0_i32_1 = arith.constant 0 : i32
    return %c0_i32, %c0_i32_0 : i32, i32
  }
}

module attributes {stable_mosaic.version = 14 : i64} {
  func.func @_fc_body(%arg0: memref<64x128xf32, #tpu.memory_space<vmem>>, %arg1: memref<1x128xf32, #tpu.memory_space<vmem>>, %arg2: memref<1x128xf32, #tpu.memory_space<vmem>>, %arg3: memref<128x64xf32, #tpu.memory_space<vmem>>, %arg4: memref<1x64xf32, #tpu.memory_space<vmem>>, %arg5: memref<64x64xf32, #tpu.memory_space<vmem>>) attributes {dimension_semantics = [], scalar_prefetch = 0 : i64, scratch_operands = 0 : i64, tpu.core_type = #tpu.core_type<tc>} {
    %get3A = arith.constant 0 : index
    %get3A_0 = arith.constant 0 : index
    %get3A_1 = vector.load %arg0[%get3A, %get3A_0] : memref<64x128xf32, #tpu.memory_space<vmem>>, vector<64x128xf32>
    %get3A_2 = arith.constant 0 : index
    %get3A_3 = arith.constant 0 : index
    %get3A_4 = vector.load %arg1[%get3A_2, %get3A_3] : memref<1x128xf32, #tpu.memory_space<vmem>>, vector<1x128xf32>
    %mul3A = arith.constant 0.999994993 : f32
    %mul3A_5 = vector.broadcast %mul3A : f32 to vector<1x128xf32>
    %mul3A_6 = arith.mulf %get3A_4, %mul3A_5 : vector<1x128xf32>
    %mul3A_7 = vector.broadcast %mul3A_6 : vector<1x128xf32> to vector<64x128xf32>
    %mul3A_8 = arith.mulf %get3A_1, %mul3A_7 : vector<64x128xf32>
    %get3A_9 = arith.constant 0 : index
    %get3A_10 = arith.constant 0 : index
    %get3A_11 = vector.load %arg2[%get3A_9, %get3A_10] : memref<1x128xf32, #tpu.memory_space<vmem>>, vector<1x128xf32>
    %add3A = vector.broadcast %get3A_11 : vector<1x128xf32> to vector<64x128xf32>
    %add3A_12 = arith.addf %mul3A_8, %add3A : vector<64x128xf32>
    %get3A_13 = arith.constant 0 : index
    %get3A_14 = arith.constant 0 : index
    %get3A_15 = vector.load %arg3[%get3A_13, %get3A_14] : memref<128x64xf32, #tpu.memory_space<vmem>>, vector<128x64xf32>
    %dot_general3A = arith.constant dense<0.000000e+00> : vector<64x64xf32>
    %dot_general3A_16 = tpu.matmul %add3A_12, %get3A_15, %dot_general3A {dimension_numbers = #tpu.dot_dimension_numbers<[1], [0], [0], [1], [0, 0, 1, 1], [], []>, transpose_lhs_hint = false} : vector<64x128xf32>, vector<128x64xf32>, vector<64x64xf32> -> vector<64x64xf32>
    %get3A_17 = arith.constant 0 : index
    %get3A_18 = arith.constant 0 : index
    %get3A_19 = vector.load %arg4[%get3A_17, %get3A_18] : memref<1x64xf32, #tpu.memory_space<vmem>>, vector<1x64xf32>
    %add3A_20 = vector.broadcast %get3A_19 : vector<1x64xf32> to vector<64x64xf32>
    %add3A_21 = arith.addf %dot_general3A_16, %add3A_20 : vector<64x64xf32>
    %swap3A = arith.constant 0 : index
    %swap3A_22 = arith.constant 0 : index
    %swap3A_23 = vector.load %arg5[%swap3A, %swap3A_22] : memref<64x64xf32, #tpu.memory_space<vmem>>, vector<64x64xf32>
    tpu.vector_store %arg5[%swap3A, %swap3A_22], %add3A_21 {strides = array<i32>} : memref<64x64xf32, #tpu.memory_space<vmem>>, vector<64x64xf32>,
    return
  }
}

</mosaic_0001>

<sc_bundles>
// kernel: kernel.11.cloned.1.call-start
scs
__scs_entry_jumppad:
0x0: {  	(pc) =	sbr.rel $0x88, $3  }
0x1: {  	(tag) =	ssettag $0x0;
	lr =	simm.s32 $0x1  }
0x2: {  	[smem:$0x3F8E] =	sst lr;
	_ =	strace $0xD0000000  }
0x3: {  	_ = 	snop  }
0x4: {  	_ = 	snop  }
0x5: {  	_ = 	snop  }
0x6: {  	_ = 	snop  }
0x7: {  	_ = 	snop  }
__scs_overlays_trampoline_lowered:
0x8: {  	[smem:$0x3F9D] =	sst s0  }
0x9: {  	[smem:$0x3F9E] =	sst s1  }
0xa: {  	[smem:$0x3F9F] =	sst s2  }
0xb: {  	[smem:$0x3FA0] =	sst s3  }
0xc: {  	[smem:$0x3FA1] =	sst s4  }
0xd: {  	[smem:$0x3FA2] =	sst s5  }
0xe: {  	[smem:$0x3FA3] =	sst s6  }
0xf: {  	[smem:$0x3FA4] =	sst s7  }
0x10: {  	[smem:$0x3FA5] =	sst s8  }
0x11: {  	[smem:$0x3FA6] =	sst s9;
	s0 =	simm.s32 @!p0 $0x0  }
0x12: {  	s1 =	sld [smem:$0x3F8C];
	s0 =	simm.s32 @p0 $0x1  }
0x13: {  	[smem:$0x3FA7] =	sst s0;
	s0 =	simm.s32 @!p1 $0x0  }
0x14: {  	s2 =	sld [smem:$0x3F8B];
	s0 =	simm.s32 @p1 $0x1  }
0x15: {  	[smem:$0x3FA8] =	sst s0;
	s0 =	simm.s32 @!p2 $0x0  }
0x16: {  	s3 =	sld [smem:$0x3FDB];
	s0 =	simm.s32 @p2 $0x1  }
0x17: {  	s4 =	simm.s32 $0x1BF5;
	[smem:$0x3FAA] =	sst s0  }
0x18: {  	s0 =	sld [smem:$0x3F8D];
	_ =	swait.ge [sflag:s4], $0x0  }
0x19: {  	s7 =	sld [smem:$0x3F8E]  }
0x1a: {  	s8 =	sadd.s32 $0xFFFFE003, lr  }
0x1b: {  	s9 =	sadd.s32 $0xFFFFFEF7, lr;
	s5 =	simm.s32 $0xFFFFFFFF;
	p2 =	slt.u32 s8, $0xFFFFF086  }
0x1c: {  	p1 =	slt.u32 s9, $0xF7A;
	s5 =	simm.s32 @!p2 $0x0  }
0x1d: {  	s5 =	simm.s32 @p1 $0x1;
	p0 =	seq.s32 s7, s2  }
0x1e: {  	s7 =	smul.u32 @!p0 $0xF7A, s2;
	p2 =	seq.s32 @!p0 s5, $0x0  }
0x1f: {  	s9 =	smul.u32 $0xF7A, s1;
	s8 =	simm.s32 @!p0 $0x1BF5;
	p2 =	por !p2, p0  }
0x20: {  	[sflag:s8] =	ssyncset.s32 @!p0 $0xFFFFF086;
	s6 =	sadd.s32 @!p0 s3, s7;
	s7 =	simm.s32 @!p0 $0x108  }
0x21: {  	s3 =	sadd.s32 s3, s9;
	s6 =	sadd.s32 @!p0 $0x88, s6;
	s7 =	simm.s32 @p2 $0x1082  }
0x22: {  	[simem:s7], [sflag:s8] =	dma.local @!p0 [hbm:s6], $0xF7A  }
0x23: {  	s9 =	sor.u32 $0xD0000000, s2;
	s6 =	simm.s32 $0x108;
	_ =	swait.ge @!p0 [sflag:s8], $0x0  }
0x24: {  	s3 =	sadd.s32 $0x88, s3;
	s6 =	simm.s32 @!p1 $0x1082;
	[sflag:s4] =	ssyncset.s32 $0xFFFFF086  }
0x25: {  	[simem:s6], [sflag:s4] =	dma.local [hbm:s3], $0xF7A  }
0x26: {  	[smem:$0x3F8E] =	sst s1;
	(tag) =	ssettag s2;
	_ =	strace s9  }
0x27: {  	s1 =	sld [smem:$0x3F9E]  }
0x28: {  	s2 =	sld [smem:$0x3F9F]  }
0x29: {  	s4 =	sld [smem:$0x3FA1]  }
0x2a: {  	p0 =	seq.s32 s5, $0x0;
	s5 =	sld [smem:$0x3FA2]  }
0x2b: {  	s6 =	sld [smem:$0x3FA3]  }
0x2c: {  	s7 =	sld [smem:$0x3FA4]  }
0x2d: {  	s3 =	simm.s32 $0x108;
	s8 =	sld [smem:$0x3FA5]  }
0x2e: {  	s3 =	simm.s32 @!p0 $0x1082;
	s9 =	sld [smem:$0x3FA6]  }
0x2f: {  	lr =	sadd.s32 s0, s3;
	s0 =	sld [smem:$0x3F9D]  }
0x30: {  	s3 =	sld [smem:$0x3FA0]  }
0x31: {  	[smem:$0x3FA9] =	sst s10  }
0x32: {  	s10 =	sld [smem:$0x3FA7];
	_ =	sdelay $0x3  }
0x33: {  	p0 =	seq.s32 s10, $0x1;
	s10 =	sld [smem:$0x3FA9];
	_ =	sdelay $0x3  }
0x34: {  	[smem:$0x3FA9] =	sst s10  }
0x35: {  	s10 =	sld [smem:$0x3FA8];
	_ =	sdelay $0x3  }
0x36: {  	p1 =	seq.s32 s10, $0x1;
	s10 =	sld [smem:$0x3FA9];
	_ =	sdelay $0x3  }
0x37: {  	[smem:$0x3FA9] =	sst s10  }
0x38: {  	s10 =	sld [smem:$0x3FAA]  }
0x39: {  	_ = 	snop;
	(pc) =	sbr.ind lr, $3  }
0x3a: {  	_ = 	snop  }
0x3b: {  	_ = 	snop  }
0x3c: {  	p2 =	seq.s32 s10, $0x1;
	s10 =	sld [smem:$0x3FA9]  }
0x3d: {  	_ =	shalt  }
0x3e: {  	_ =	shalt  }
0x3f: {  	_ =	shalt  }
0x40: {  	_ =	shalt  }
0x41: {  	_ =	shalt  }
0x42: {  	_ =	shalt  }
0x43: {  	_ =	shalt  }
0x44: {  	_ =	shalt  }
0x45: {  	_ =	shalt  }
0x46: {  	_ =	shalt  }
0x47: {  	_ =	shalt  }
0x48: {  	_ =	shalt  }
0x49: {  	_ =	shalt  }
0x4a: {  	_ =	shalt  }
0x4b: {  	_ =	shalt  }
0x4c: {  	_ =	shalt  }
0x4d: {  	_ =	shalt  }
0x4e: {  	_ =	shalt  }
0x4f: {  	_ =	shalt  }
0x50: {  	_ =	shalt  }
0x51: {  	_ =	shalt  }
0x52: {  	_ =	shalt  }
0x53: {  	_ =	shalt  }
0x54: {  	_ =	shalt  }
0x55: {  	_ =	shalt  }
0x56: {  	_ =	shalt  }
0x57: {  	_ =	shalt  }
0x58: {  	_ =	shalt  }
0x59: {  	_ =	shalt  }
0x5a: {  	_ =	shalt  }
0x5b: {  	_ =	shalt  }
0x5c: {  	_ =	shalt  }
0x5d: {  	_ =	shalt  }
0x5e: {  	_ =	shalt  }
0x5f: {  	_ =	shalt  }
0x60: {  	_ =	shalt  }
0x61: {  	_ =	shalt  }
0x62: {  	_ =	shalt  }
0x63: {  	_ =	shalt  }
0x64: {  	_ =	shalt  }
0x65: {  	_ =	shalt  }
0x66: {  	_ =	shalt  }
0x67: {  	_ =	shalt  }
0x68: {  	_ =	shalt  }
0x69: {  	_ =	shalt  }
0x6a: {  	_ =	shalt  }
0x6b: {  	_ =	shalt  }
0x6c: {  	_ =	shalt  }
0x6d: {  	_ =	shalt  }
0x6e: {  	_ =	shalt  }
0x6f: {  	_ =	shalt  }
0x70: {  	_ =	shalt  }
0x71: {  	_ =	shalt  }
0x72: {  	_ =	shalt  }
0x73: {  	_ =	shalt  }
0x74: {  	_ =	shalt  }
0x75: {  	_ =	shalt  }
0x76: {  	_ =	shalt  }
0x77: {  	_ =	shalt  }
0x78: {  	_ =	shalt  }
0x79: {  	_ =	shalt  }
0x7a: {  	_ =	shalt  }
0x7b: {  	_ =	shalt  }
0x7c: {  	_ =	shalt  }
0x7d: {  	_ =	shalt  }
0x7e: {  	_ =	shalt  }
0x7f: {  	_ =	shalt  }
0x80: {  	_ =	shalt  }
0x81: {  	_ =	shalt  }
0x82: {  	_ =	shalt  }
0x83: {  	_ =	shalt  }
0x84: {  	_ =	shalt  }
0x85: {  	_ =	shalt  }
0x86: {  	_ =	shalt  }
0x87: {  	_ =	shalt  }
.Lfunc_end0:
.L_simem_size_0:
called_computation.1_lowered:
.L_overlay_start_0:
0x88: {  	s2 =	sld [smem:$0x3FD9]  }
0x89: {  	s3 =	sld [smem:$0x3FFE];
	_ =	sdelay $0x1  }
0x8a: {  	s1 =	srdreg.scid  }
0x8b: {  	s0 =	sand.u32 $0x1, s1  }
0x8c: {  	s16 =	sshll.u32 s0, $0xA;
	s2 =	sadd.s32 s3, s2  }
0x8d: {  	s2 =	sadd.s32 s2, s16  }
0x8e: {  	[smem:$0x3FB5] =	sst s2  }
0x8f: {  	_ = 	snop  }
0x90: {  	(tm) =	ssettm $0x1  }
0x91: {  	s17 =	sld [smem:$0x3FFB];
	_ =	sdelay $0x3  }
0x92: {  	_ =	strace s17  }
0x93: {  	s2 =	sld [smem:$0x3FFC];
	_ =	sdelay $0x3  }
0x94: {  	_ =	strace s2  }
0x95: {  	s2 =	sld [smem:$0x3FFD];
	_ =	sdelay $0x3  }
0x96: {  	_ =	strace s2  }
0x97: {  	_ =	strace $0x8FFFFFFF  }
0x98: {  	s18 =	sld [smem:$0x3FDB];
	_ =	sdelay $0x1  }
0x99: {  	s19 =	simm.s32 $_scs_section_size  }
0x9a: {  	s4 =	simm.s32 $_size__tile_overlayer_lowered;
	s5 =	simm.s32 $_tile_overlayer_lowered  }
0x9b: {  	s22 =	simm.s32 $0x1BFF;
	s21 =	sshll.u32 s5, $0x1;
	s2 =	sadd.s32 s19, s18  }
0x9c: {  	s6 =	simm.s32 $0x0;
	s20 =	sshll.u32 s4, $0x1;
	s4 =	sadd.s32 s21, s2  }
0x9d: {  	[timem:s6], [sflag:s22] =	dma.local [hbm:s4], s20  }
0x9e: {  	_ =	swait.ge [sflag:s22], s20  }
0x9f: {  	s3 =	ssub.s32 $0x0, s20;
	[sflag:s22] =	ssyncset.done $0x0  }
0xa0: {  	[sflag:s22] =	ssyncadd.s32 s3;
	_ =	sdelay $0x1  }
0xa1: {  	s23 =	simm.s32 $0x1B8B  }
0xa2: {  	_ =	swait.ge [sflag:s23], $0x1  }
0xa3: {  	[sflag:s23] =	ssyncset.done $0x0  }
0xa4: {  	s25 =	simm.s32 $0x1B8E;
	s24 =	sld [smem:$0x3FFE];
	[sflag:s23] =	ssyncadd.s32 $0xFFFFFFFF  }
0xa5: {  	s26 =	simm.s32 $execute0_lowered;
	[smem:$0x3FD2] =	sst s25  }
0xa6: {  	s4 =	sshll.u32 s26, $0x1;
	_ =	strace $0x80000049;
	[dreg:$0x1] =	wrdreg $0xFFFFFFFF  }
0xa7: {  	s28 =	simm.s32 $_size_execute0_lowered;
	s2 =	sadd.s32 s2, s4;
	[dreg:$0x0] =	wrdreg $0x0  }
0xa8: {  	s4 =	sshll.u32 s28, $0x1;
	[dreg:$0x2] =	wrdreg s2  }
0xa9: {  	[dreg:$0x3] =	wrdreg s4  }
0xaa: {  	[dreg:$0x4] =	wrdreg $0xC0  }
0xab: {  	_ =	task [dreg:s6], $0x5FFFF  }
0xac: {  	[dreg:$0x1] =	wrdreg $0xFFFFFFFF  }
0xad: {  	[dreg:$0x0] =	wrdreg $0x60  }
0xae: {  	[dreg:$0x2] =	wrdreg s24  }
0xaf: {  	[dreg:$0x3] =	wrdreg $0x0  }
0xb0: {  	[dreg:$0x4] =	wrdreg $0x9  }
0xb1: {  	_ =	task.clear_ibuf [dreg:s6], $0x5FFFF;
	_ =	strace $0x90000049  }
0xb2: {  	s29 =	simm.s32 $0x9;
	_ =	strace $0x8000004B  }
0xb3: {  	_ =	swait.ge [sflag:s29], $0x1  }
0xb4: {  	[sflag:s29] =	ssyncadd.s32 $0xFFFFFFFF  }
0xb5: {  	_ =	strace $0x9000004B  }
0xb6: {  	_ =	sfence  }
0xb7: {  	s30 =	sld [smem:$0x0];
	_ =	sdelay $0x2  }
0xb8: {  	s31 =	sshll.u32 s1, $0xD;
	s1 =	sshrl.u32 s1, $0x2  }
0xb9: {  	s3 =	sand.u32 $0x4000, s31;
	s1 =	sadd.s32 s1, s30  }
0xba: {  	s0 =	sor.u32 s3, s0;
	s1 =	sshll.u32 s1, $0x11  }
0xbb: {  	s0 =	sor.u32 s1, s0  }
0xbc: {  	s0 =	sadd.s32 $0x8F2B, s0  }
0xbd: {  	[sflag:s0] =	ssyncadd.remote.s32 $0x1  }
0xbe: {  	_ =	sfence.sel $0xFFFF  }
0xbf: {  	[dreg:$0x0] =	wrdreg $0xFFFFFFFF;
	(pc) =	sbr.abs _section_cstart, $3  }
0xc0: {  	[dreg:$0x1] =	wrdreg $0xFFFFFFFF  }
0xc1: {  	_ =	task.clear_ibuf [dreg:s6], $0x2FFFF;
	_ =	strace $0x9FFFFFFF  }
0xc2: {  	(tm) =	ssettm $0x7FFFFFFF  }
0xc3: {  	_ =	shalt  }
tec
execute0_lowered:
.L_overlay_start_1:
0x0: {  	(tag) =	ssettag $0x1  }
0x1: {  	s0 =	rddreg [dreg:$0x0]  }
0x2: {  	s1 =	rddreg [dreg:$0x1]  }
0x3: {  	s3 =	simm.s32 $0x0;
	s12 =	stileid.u32;
	s2 =	srdreg.scid  }
0x4: {  	s21 =	simm.s32 $0x1A020;
	s22 =	simm.s32 $0x4;
	s28 =	simm.s32 $0x1E820  }
0x5: {  	s29 =	simm.s32 $0x1F020;
	s30 =	simm.s32 $0x1;
	s31 =	simm.s32 $0x2  }
0x6: {  	[smem:$0x7FF] =	sst s3;
	s4 =	sadd.s32 $0xCC00, s0;
	s8 =	smul.u32 $0x272, s12  }
0x7: {  	s5 =	sadd.s32 $0x7C00, s0;
	s6 =	sadd.s32 $0x2C00, s0;
	s2 =	sand.u32 $0x1, s2  }
0x8: {  	s7 =	sadd.s32 $0x33E00, s0;
	s23 =	sshll.u32 s12, $0x1;
	s9 =	ssub.s32 $0x2, s2  }
0x9: {  	s14 =	sor.u32 s2, s23;
	s2 =	smul.u32 $0x160200, s2;
	s10 =	smin.u32 s8, $0x24A0  }
0xa: {  	_ =	strace $0x8000004A;
	s23 =	simm.s32 $0x1F820;
	s13 =	smul.u32 $0x90, s10  }
0xb: {  	s8 =	sadd.s32 $0x3E000, s0;
	s11 =	sshrl.u32 s9, $0x1;
	s0 =	sadd.s32 $0x48200, s0  }
0xc: {  	s14 =	smul.u32 $0x2880, s14;
	s15 =	ssub.s32 s9, s11;
	s9 =	sadd.s32 s13, s1  }
0xd: {  	s16 =	sadd.s32 $0x4800, s13;
	s17 =	sadd.s32 $0x9000, s13;
	s18 =	sadd.s32 $0xD800, s13  }
0xe: {  	s19 =	sadd.s32 $0x12000, s13;
	s20 =	sadd.s32 s2, s13;
	s10 =	sadd.s32 s16, s1  }
0xf: {  	s11 =	sadd.s32 s17, s1;
	s12 =	sadd.s32 s18, s1;
	s16 =	sadd.s32 s2, s16  }
0x10: {  	s13 =	sadd.s32 s19, s1;
	s20 =	sshrl.u32 s20, $0x3;
	s24 =	sadd.s32 s2, s17  }
0x11: {  	s25 =	sadd.s32 s2, s18;
	s2 =	sadd.s32 s2, s19;
	s16 =	sshrl.u32 s16, $0x3  }
0x12: {  	s20 =	sadd.s32 s0, s20;
	s17 =	sshrl.u32 s25, $0x3;
	s2 =	sshrl.u32 s2, $0x3  }
0x13: {  	s25 =	simm.s32 $0x80;
	[dreg:$0x3] =	wrdreg s20;
	s16 =	sadd.s32 s0, s16  }
0x14: {  	s26 =	sadd.s32 s0, s17;
	[dreg:$0x4] =	wrdreg s16;
	s16 =	sshrl.u32 s24, $0x3  }
0x15: {  	s20 =	smax.u32 s15, $0x1;
	[dreg:$0x6] =	wrdreg s26;
	s16 =	sadd.s32 s0, s16  }
0x16: {  	v0 =	vimm.f32 $0.0e+00;
	vm0 =	vmmov $0xf;
	v1 =	vimm.s32 $0x0;
	s24 =	simm.s32 $0x1F8A0;
	s0 =	sadd.s32 s0, s2;
	[dreg:$0x5] =	wrdreg s16  }
0x17: {  	v2 =	vimm.s32 $0x1;
	v3 =	vimm.s32 $0x2;
	v4 =	vimm.s32 $0x3;
	s26 =	simm.s32 $0x16020;
	[dreg:$0x7] =	wrdreg s0;
	s0 =	simm.s32 $0x3  }
.LBB2_1:
0x18: {  	s2 =	simm.s32 $0x0;
	s15 =	simm.s32 $0x240  }
.LBB2_2:
0x19: {  	p0 =	sne.s32 s15, $0x11DC0;
	[tilespmem:s2+$0x1A0A0] =	vst v0  }
0x1a: {  	[tilespmem:s2+$0x1A020] =	vst v0  }
0x1b: {  	[tilespmem:s2+$0x1A030] =	vst v0  }
0x1c: {  	[tilespmem:s2+$0x1A040] =	vst v0  }
.Ltmp0:
0x1d: {  	[tilespmem:s2+$0x1A050] =	vst v0;
	(pc) =	sbr.rel @p0 .LBB2_2-.Ltmp0, $4  }
0x1e: {  	[tilespmem:s2+$0x1A060] =	vst v0  }
0x1f: {  	[tilespmem:s2+$0x1A070] =	vst v0  }
0x20: {  	[tilespmem:s2+$0x1A080] =	vst v0  }
0x21: {  	[tilespmem:s2+$0x1A090] =	vst v0;
	s2 =	sshra.s32 s15, $0x2;
	s15 =	sadd.s32 $0x240, s15  }
0x22: {  	[tilespmem:s2+$0x1A0A0] =	vst v0  }
0x23: {  	[tilespmem:s2+$0x1A020] =	vst v0  }
0x24: {  	[tilespmem:s2+$0x1A030] =	vst v0  }
0x25: {  	[tilespmem:s2+$0x1A040] =	vst v0  }
0x26: {  	[tilespmem:s2+$0x1A050] =	vst v0  }
0x27: {  	[tilespmem:s2+$0x1A060] =	vst v0  }
0x28: {  	[tilespmem:s2+$0x1A070] =	vst v0  }
0x29: {  	[tilespmem:s2+$0x1A080] =	vst v0  }
0x2a: {  	[tilespmem:s2+$0x1A090] =	vst v0  }
0x2b: {  	[spmem:s9] =	stream.linear.scatter [tilespmem:s21], [sflag:$0x4], $0x4800, $0x38;
	[tilespmem:$0x1F920] =	vst v63  }
0x2c: {  	_ =	swait.ge [sflag:s22], $0x4800  }
0x2d: {  	[sflag:s22] =	ssyncset.done $0x0  }
0x2e: {  	[sflag:s22] =	ssyncadd.s32 $0xFFFFB800  }
0x2f: {  	[spmem:s10] =	stream.linear.scatter [tilespmem:s21], [sflag:$0x4], $0x4800, $0x38;
	[tilespmem:$0x1F920] =	vst v63  }
0x30: {  	_ =	swait.ge [sflag:s22], $0x4800  }
0x31: {  	[sflag:s22] =	ssyncset.done $0x0  }
0x32: {  	[sflag:s22] =	ssyncadd.s32 $0xFFFFB800  }
0x33: {  	[spmem:s11] =	stream.linear.scatter [tilespmem:s21], [sflag:$0x4], $0x4800, $0x38;
	[tilespmem:$0x1F920] =	vst v63  }
0x34: {  	_ =	swait.ge [sflag:s22], $0x4800  }
0x35: {  	[sflag:s22] =	ssyncset.done $0x0  }
0x36: {  	[sflag:s22] =	ssyncadd.s32 $0xFFFFB800  }
0x37: {  	[spmem:s12] =	stream.linear.scatter [tilespmem:s21], [sflag:$0x4], $0x4800, $0x38;
	[tilespmem:$0x1F920] =	vst v63  }
0x38: {  	_ =	swait.ge [sflag:s22], $0x4800  }
0x39: {  	[sflag:s22] =	ssyncset.done $0x0  }
0x3a: {  	[sflag:s22] =	ssyncadd.s32 $0xFFFFB800  }
0x3b: {  	[spmem:s13] =	stream.linear.scatter [tilespmem:s21], [sflag:$0x4], $0x4800, $0x38;
	[tilespmem:$0x1F920] =	vst v63  }
0x3c: {  	_ =	swait.ge [sflag:s22], $0x4800  }
0x3d: {  	[sflag:s22] =	ssyncset.done $0x0  }
0x3e: {  	[sflag:s22] =	ssyncadd.s32 $0xFFFFB800  }
0x3f: {  	s2 =	simm.s32 $0x0;
	s15 =	simm.s32 $0x0;
	[bflag:$0x0] =	sbarrier.arrive $0xFFFF  }
.LBB2_4:
0x40: {  	s16 =	sshll.u32 s15, $0x7  }
0x41: {  	s16 =	sadd.s32 s14, s16  }
0x42: {  	s16 =	sshrl.u32 s16, $0x3  }
0x43: {  	s17 =	sadd.s32 s7, s16  }
0x44: {  	[tilespmem:s23], [sflag:$0x4] =	stream.linear.gather [hbm4b:s17+s2], $0x80, $0x38;
	[tilespmem:$0x1F920] =	vst v63  }
0x45: {  	_ =	swait.ge [sflag:s22], $0x80  }
0x46: {  	[sflag:s22] =	ssyncset.done $0x0  }
0x47: {  	s16 =	sadd.s32 s8, s16;
	[sflag:s22] =	ssyncadd.s32 $0xFFFFFF80  }
0x48: {  	[tilespmem:s24], [sflag:$0x4] =	stream.linear.gather [hbm4b:s16+s2], $0x80, $0x38;
	[tilespmem:$0x1F920] =	vst v63  }
0x49: {  	_ =	swait.ge [sflag:s22], $0x80  }
0x4a: {  	[sflag:s22] =	ssyncset.done $0x0  }
0x4b: {  	[sflag:s22] =	ssyncadd.s32 $0xFFFFFF80  }
0x4c: {  	[tilespmem:s26], [sflag:$0x1] =	stream.indirect.gather [hbm4b:s4+s25], $0x80, s23, s25, $0xb8;
	[tilespmem:$0x1F920] =	vst v63  }
0x4d: {  	_ = 	snop  }
0x4e: {  	[tilespmem:s28], [sflag:$0x2] =	stream.indirect.gather [hbm4b:s5+s25], $0x10, s23, s25, $0xb8;
	[tilespmem:$0x1F920] =	vst v63  }
0x4f: {  	_ = 	snop  }
0x50: {  	[tilespmem:s29], [sflag:$0x3] =	stream.indirect.gather [hbm4b:s6+s25], $0x10, s24, s25, $0xb8;
	[tilespmem:$0x1F920] =	vst v63  }
0x51: {  	_ =	swait.ge [sflag:s30], $0x4000  }
0x52: {  	[sflag:s30] =	ssyncset.done $0x0  }
0x53: {  	[sflag:s30] =	ssyncadd.s32 $0xFFFFC000  }
0x54: {  	_ =	swait.ge [sflag:s31], $0x800  }
0x55: {  	[sflag:s31] =	ssyncset.done $0x0  }
0x56: {  	[sflag:s31] =	ssyncadd.s32 $0xFFFFF800  }
0x57: {  	_ =	swait.ge [sflag:s0], $0x800  }
0x58: {  	[sflag:s0] =	ssyncset.done $0x0  }
0x59: {  	s19 =	simm.s32 $0x0;
	[sflag:s0] =	ssyncadd.s32 $0xFFFFF800  }
0x5a: {  	v5 =	vld [tilespmem:s19+$0x1E820]  }
0x5b: {  	v6 =	vld [tilespmem:s19+$0x1F020];
	_ =	sdelay $0x4  }
0x5c: {  	v5 =	vadd.f32 v6, v5;
	_ =	sdelay $0x1  }
0x5d: {  	v6 =	vmul.f32 $2.000000030e-01, v5;
	_ =	sdelay $0x1  }
0x5e: {  	v5 =	vmax.f32 v5, v6  }
0x5f: {  	v5 =	vmul.f32 $1.442695020e+00, v5;
	_ =	sdelay $0x1  }
0x60: {  	(erf) = vpow2.f32 v5;
	_ =	sdelay $0x8  }
0x61: {  	v5 =	vpop (erf)  }
0x62: {  	s16 =	simm.s32 $0x1A060;
	v5 =	vnsel vm0, $0x0, v5  }
0x63: {  	s17 =	simm.s32 $0x16060;
	[tilespmem:s16+$0x40] =	vst v5  }
0x64: {  	v6 =	vld [tilespmem:s17+$0xFFFFFFC0];
	_ =	sdelay $0x2  }
0x65: {  	v7 =	vperm.xlane v5, v1;
	_ =	sdelay $0x1  }
0x66: {  	v6 =	vmul.f32 v6, v7;
	_ =	sdelay $0x1  }
0x67: {  	[tilespmem:s16+$0xFFFFFFC0] =	vst v6  }
0x68: {  	v6 =	vld [tilespmem:s17+$0xFFFFFFD0];
	_ =	sdelay $0x4  }
0x69: {  	v6 =	vmul.f32 v6, v7;
	_ =	sdelay $0x1  }
0x6a: {  	[tilespmem:s16+$0xFFFFFFD0] =	vst v6  }
0x6b: {  	v6 =	vld [tilespmem:s17+$0xFFFFFFE0];
	_ =	sdelay $0x2  }
0x6c: {  	v7 =	vperm.xlane v5, v2;
	_ =	sdelay $0x1  }
0x6d: {  	v6 =	vmul.f32 v6, v7;
	_ =	sdelay $0x1  }
0x6e: {  	[tilespmem:s16+$0xFFFFFFE0] =	vst v6  }
0x6f: {  	v6 =	vld [tilespmem:s17+$0xFFFFFFF0];
	_ =	sdelay $0x4  }
0x70: {  	v6 =	vmul.f32 v6, v7;
	_ =	sdelay $0x1  }
0x71: {  	[tilespmem:s16+$0xFFFFFFF0] =	vst v6  }
0x72: {  	v6 =	vld [tilespmem:s17+$0x0];
	_ =	sdelay $0x2  }
0x73: {  	v7 =	vperm.xlane v5, v3;
	_ =	sdelay $0x1  }
0x74: {  	v6 =	vmul.f32 v6, v7;
	_ =	sdelay $0x1  }
0x75: {  	[tilespmem:s16+$0x0] =	vst v6  }
0x76: {  	v6 =	vld [tilespmem:s17+$0x10];
	_ =	sdelay $0x4  }
0x77: {  	v6 =	vmul.f32 v6, v7;
	_ =	sdelay $0x1  }
0x78: {  	[tilespmem:s16+$0x10] =	vst v6  }
0x79: {  	v6 =	vld [tilespmem:s17+$0x20];
	_ =	sdelay $0x2  }
0x7a: {  	v5 =	vperm.xlane v5, v4;
	_ =	sdelay $0x1  }
0x7b: {  	v6 =	vmul.f32 v6, v5;
	_ =	sdelay $0x1  }
0x7c: {  	[tilespmem:s16+$0x20] =	vst v6  }
0x7d: {  	v6 =	vld [tilespmem:s17+$0x30];
	_ =	sdelay $0x4  }
0x7e: {  	v5 =	vmul.f32 v6, v5;
	_ =	sdelay $0x1  }
0x7f: {  	s19 =	simm.s32 $0x10;
	[tilespmem:s16+$0x30] =	vst v5  }
0x80: {  	s18 =	simm.s32 $0x80;
	v5 =	vld [tilespmem:s19+$0x1E820]  }
.LBB2_5:
0x81: {  	p0 =	sne.s32 s18, $0x1FC0;
	v6 =	vld [tilespmem:s19+$0x1F020];
	_ =	sdelay $0x4  }
0x82: {  	v5 =	vadd.f32 v6, v5;
	_ =	sdelay $0x1  }
0x83: {  	v6 =	vmul.f32 $2.000000030e-01, v5;
	_ =	sdelay $0x1  }
0x84: {  	v5 =	vmax.f32 v5, v6  }
0x85: {  	v5 =	vmul.f32 $1.442695020e+00, v5;
	_ =	sdelay $0x1  }
0x86: {  	(erf) = vpow2.f32 v5;
	_ =	sdelay $0x8  }
0x87: {  	v5 =	vpop (erf)  }
0x88: {  	s16 =	sadd.s32 $0x90, s16;
	v5 =	vnsel vm0, $0x0, v5  }
0x89: {  	s17 =	sadd.s32 $0x80, s17;
	[tilespmem:s16+$0x40] =	vst v5  }
0x8a: {  	v6 =	vld [tilespmem:s17+$0xFFFFFFC0];
	_ =	sdelay $0x2  }
0x8b: {  	v7 =	vperm.xlane v5, v1;
	_ =	sdelay $0x1  }
0x8c: {  	v6 =	vmul.f32 v6, v7;
	_ =	sdelay $0x1  }
0x8d: {  	[tilespmem:s16+$0xFFFFFFC0] =	vst v6  }
0x8e: {  	v6 =	vld [tilespmem:s17+$0xFFFFFFD0];
	_ =	sdelay $0x4  }
0x8f: {  	v6 =	vmul.f32 v6, v7;
	_ =	sdelay $0x1  }
0x90: {  	[tilespmem:s16+$0xFFFFFFD0] =	vst v6  }
0x91: {  	v6 =	vld [tilespmem:s17+$0xFFFFFFE0];
	_ =	sdelay $0x2  }
0x92: {  	v7 =	vperm.xlane v5, v2;
	_ =	sdelay $0x1  }
0x93: {  	v6 =	vmul.f32 v6, v7;
	_ =	sdelay $0x1  }
0x94: {  	[tilespmem:s16+$0xFFFFFFE0] =	vst v6  }
0x95: {  	v6 =	vld [tilespmem:s17+$0xFFFFFFF0];
	_ =	sdelay $0x4  }
0x96: {  	v6 =	vmul.f32 v6, v7;
	_ =	sdelay $0x1  }
0x97: {  	[tilespmem:s16+$0xFFFFFFF0] =	vst v6  }
0x98: {  	v6 =	vld [tilespmem:s17+$0x0];
	_ =	sdelay $0x2  }
0x99: {  	v7 =	vperm.xlane v5, v3;
	_ =	sdelay $0x1  }
0x9a: {  	v6 =	vmul.f32 v6, v7;
	_ =	sdelay $0x1  }
0x9b: {  	[tilespmem:s16+$0x0] =	vst v6  }
0x9c: {  	v6 =	vld [tilespmem:s17+$0x10];
	_ =	sdelay $0x4  }
0x9d: {  	v6 =	vmul.f32 v6, v7;
	_ =	sdelay $0x1  }
0x9e: {  	[tilespmem:s16+$0x10] =	vst v6  }
0x9f: {  	v6 =	vld [tilespmem:s17+$0x20];
	_ =	sdelay $0x2  }
0xa0: {  	v5 =	vperm.xlane v5, v4;
	_ =	sdelay $0x1  }
0xa1: {  	v6 =	vmul.f32 v6, v5;
	_ =	sdelay $0x1  }
0xa2: {  	[tilespmem:s16+$0x20] =	vst v6  }
0xa3: {  	v6 =	vld [tilespmem:s17+$0x30];
	_ =	sdelay $0x3  }
.Ltmp1:
0xa4: {  	(pc) =	sbr.rel @p0 .LBB2_5-.Ltmp1, $3  }
0xa5: {  	v5 =	vmul.f32 v6, v5;
	_ =	sdelay $0x1  }
0xa6: {  	s19 =	sshra.s32 s18, $0x2;
	[tilespmem:s16+$0x30] =	vst v5  }
0xa7: {  	s18 =	sadd.s32 $0x40, s18;
	v5 =	vld [tilespmem:s19+$0x1E820]  }
0xa8: {  	v6 =	vld [tilespmem:s19+$0x1F020];
	_ =	sdelay $0x4  }
0xa9: {  	v5 =	vadd.f32 v6, v5;
	_ =	sdelay $0x1  }
0xaa: {  	v6 =	vmul.f32 $2.000000030e-01, v5;
	_ =	sdelay $0x1  }
0xab: {  	v5 =	vmax.f32 v5, v6  }
0xac: {  	v5 =	vmul.f32 $1.442695020e+00, v5;
	_ =	sdelay $0x1  }
0xad: {  	(erf) = vpow2.f32 v5;
	_ =	sdelay $0x8  }
0xae: {  	v5 =	vpop (erf)  }
0xaf: {  	s16 =	sadd.s32 $0x90, s16;
	v5 =	vnsel vm0, $0x0, v5  }
0xb0: {  	s17 =	sadd.s32 $0x80, s17;
	[tilespmem:s16+$0x40] =	vst v5  }
0xb1: {  	v6 =	vld [tilespmem:s17+$0xFFFFFFC0];
	_ =	sdelay $0x2  }
0xb2: {  	v7 =	vperm.xlane v5, v1;
	_ =	sdelay $0x1  }
0xb3: {  	v6 =	vmul.f32 v6, v7;
	_ =	sdelay $0x1  }
0xb4: {  	[tilespmem:s16+$0xFFFFFFC0] =	vst v6  }
0xb5: {  	v6 =	vld [tilespmem:s17+$0xFFFFFFD0];
	_ =	sdelay $0x4  }
0xb6: {  	v6 =	vmul.f32 v6, v7;
	_ =	sdelay $0x1  }
0xb7: {  	[tilespmem:s16+$0xFFFFFFD0] =	vst v6  }
0xb8: {  	v6 =	vld [tilespmem:s17+$0xFFFFFFE0];
	_ =	sdelay $0x2  }
0xb9: {  	v7 =	vperm.xlane v5, v2;
	_ =	sdelay $0x1  }
0xba: {  	v6 =	vmul.f32 v6, v7;
	_ =	sdelay $0x1  }
0xbb: {  	[tilespmem:s16+$0xFFFFFFE0] =	vst v6  }
0xbc: {  	v6 =	vld [tilespmem:s17+$0xFFFFFFF0];
	_ =	sdelay $0x4  }
0xbd: {  	v6 =	vmul.f32 v6, v7;
	_ =	sdelay $0x1  }
0xbe: {  	[tilespmem:s16+$0xFFFFFFF0] =	vst v6  }
0xbf: {  	v6 =	vld [tilespmem:s17+$0x0];
	_ =	sdelay $0x2  }
0xc0: {  	v7 =	vperm.xlane v5, v3;
	_ =	sdelay $0x1  }
0xc1: {  	v6 =	vmul.f32 v6, v7;
	_ =	sdelay $0x1  }
0xc2: {  	[tilespmem:s16+$0x0] =	vst v6  }
0xc3: {  	v6 =	vld [tilespmem:s17+$0x10];
	_ =	sdelay $0x4  }
0xc4: {  	v6 =	vmul.f32 v6, v7;
	_ =	sdelay $0x1  }
0xc5: {  	[tilespmem:s16+$0x10] =	vst v6  }
0xc6: {  	v6 =	vld [tilespmem:s17+$0x20];
	_ =	sdelay $0x2  }
0xc7: {  	v5 =	vperm.xlane v5, v4;
	_ =	sdelay $0x1  }
0xc8: {  	v6 =	vmul.f32 v6, v5;
	_ =	sdelay $0x1  }
0xc9: {  	[tilespmem:s16+$0x20] =	vst v6  }
0xca: {  	v6 =	vld [tilespmem:s17+$0x30];
	_ =	sdelay $0x4  }
0xcb: {  	s15 =	sadd.s32 $0x1, s15;
	v5 =	vmul.f32 v6, v5  }
0xcc: {  	p0 =	sne.s32 s15, $0x51  }
.Ltmp2:
0xcd: {  	[tilespmem:s16+$0x30] =	vst v5;
	(pc) =	sbr.rel @p0 .LBB2_4-.Ltmp2, $4  }
0xce: {  	[spmem:s1] =	stream.indirect.scatter.add.f32 [tilespmem:s21], [sflag:$0x4], $0x90, s24, s25, $0xb8;
	[tilespmem:$0x1F920] =	vst v63  }
0xcf: {  	_ =	swait.ge [sflag:s22], $0x4800  }
0xd0: {  	[sflag:s22] =	ssyncset.done $0x0  }
0xd1: {  	[sflag:s22] =	ssyncadd.s32 $0xFFFFB800  }
0xd2: {  	s2 =	stileid.u32  }
0xd3: {  	[bflag:$0x0] =	sbarrier.arrive $0xFFFF;
	s2 =	sshll.u32 s2, $0x6  }
0xd4: {  	s15 =	sshrl.u32 s9, $0x3;
	s16 =	rddreg [dreg:$0x3];
	s2 =	sor.u32 $0x1C04, s2  }
0xd5: {  	[hbm:s16], [sflag:s2] =	dma.local [spmem:s15], $0x900  }
0xd6: {  	_ =	swait.ge [sflag:s22], $0x900  }
0xd7: {  	[sflag:s22] =	ssyncset.done $0x0  }
0xd8: {  	s16 =	sshrl.u32 s10, $0x3;
	s17 =	rddreg [dreg:$0x4];
	[sflag:s22] =	ssyncadd.s32 $0xFFFFF700  }
0xd9: {  	[hbm:s17], [sflag:s2] =	dma.local [spmem:s16], $0x900  }
0xda: {  	_ =	swait.ge [sflag:s22], $0x900  }
0xdb: {  	[sflag:s22] =	ssyncset.done $0x0  }
0xdc: {  	s18 =	sshrl.u32 s11, $0x3;
	s19 =	rddreg [dreg:$0x5];
	[sflag:s22] =	ssyncadd.s32 $0xFFFFF700  }
0xdd: {  	[hbm:s19], [sflag:s2] =	dma.local [spmem:s18], $0x900  }
0xde: {  	_ =	swait.ge [sflag:s22], $0x900  }
0xdf: {  	[sflag:s22] =	ssyncset.done $0x0  }
0xe0: {  	s16 =	sshrl.u32 s12, $0x3;
	s17 =	rddreg [dreg:$0x6];
	[sflag:s22] =	ssyncadd.s32 $0xFFFFF700  }
0xe1: {  	[hbm:s17], [sflag:s2] =	dma.local [spmem:s16], $0x900  }
0xe2: {  	s3 =	sadd.s32 $0x1, s3;
	_ =	swait.ge [sflag:s22], $0x900  }
0xe3: {  	p0 =	sne.s32 s3, s20;
	s18 =	sshrl.u32 s13, $0x3;
	[sflag:s22] =	ssyncset.done $0x0  }
.Ltmp3:
0xe4: {  	s19 =	rddreg [dreg:$0x7];
	[sflag:s22] =	ssyncadd.s32 $0xFFFFF700;
	(pc) =	sbr.rel @p0 .LBB2_1-.Ltmp3, $4  }
0xe5: {  	[hbm:s19], [sflag:s2] =	dma.local [spmem:s18], $0x900  }
0xe6: {  	_ =	swait.ge [sflag:s22], $0x900  }
0xe7: {  	[sflag:s22] =	ssyncset.done $0x0  }
0xe8: {  	[sflag:s22] =	ssyncadd.s32 $0xFFFFF700  }
0xe9: {  	_ =	sfence.sel $0x180000  }
0xea: {  	[bflag:$0x0] =	sbarrier.arrive $0xFFFF  }
0xeb: {  	_ =	strace $0x9000004A  }
0xec: {  	s0 =	stileid.u32;
	[bflag:$0x2] =	sbarrier.arrive $0xFFFF  }
0xed: {  	p0 =	sne.s32 s0, $0x0;
	s0 =	rddreg [dreg:$0x2]  }
0xee: {  	s0 =	sadd.s32 @!p0 $0x100000, s0  }
0xef: {  	[sflag:s0] =	ssyncadd.tile.s32 @!p0 $0x1;
	_ =	shalt  }
.Lfunc_end2:
_tile_overlayer_lowered:
.L_overlay_start_2:
0xf0: {  	(tag) =	ssettag $0x2  }
0xf1: {  	s0 =	rddreg [dreg:$0x0];
	s2 =	stileid.u32  }
0xf2: {  	s1 =	rddreg [dreg:$0x1];
	p0 =	sne.s32 s2, $0x0  }
0xf3: {  	s3 =	rddreg [dreg:$0x2];
	[bflag:$0x3] =	sbarrier.arrive $0xFFFF;
	s2 =	simm.s32 @!p0 $0x1C04  }
0xf4: {  	[timem:s3], [sflag:s2] =	dma.local @!p0 [hbm:s0], s1  }
0xf5: {  	s0 =	simm.s32 @!p0 $0x4  }
0xf6: {  	_ =	swait.ge @!p0 [sflag:s0], s1  }
0xf7: {  	s1 =	ssub.s32 @!p0 $0x0, s1;
	[sflag:s0] =	ssyncset.done @!p0 $0x0  }
0xf8: {  	[sflag:s0] =	ssyncadd.s32 @!p0 s1  }
0xf9: {  	[bflag:$0x3] =	sbarrier.arrive $0xFFFF  }
0xfa: {  	_ =	shalt  }

// kernel: kernel.8.cloned.1.call-start
scs
__scs_entry_jumppad:
0x0: {  	(pc) =	sbr.rel $0x88, $3  }
0x1: {  	(tag) =	ssettag $0x0;
	lr =	simm.s32 $0x1  }
0x2: {  	[smem:$0x3F8E] =	sst lr;
	_ =	strace $0xD0000000  }
0x3: {  	_ = 	snop  }
0x4: {  	_ = 	snop  }
0x5: {  	_ = 	snop  }
0x6: {  	_ = 	snop  }
0x7: {  	_ = 	snop  }
__scs_overlays_trampoline_lowered:
0x8: {  	[smem:$0x3F9D] =	sst s0  }
0x9: {  	[smem:$0x3F9E] =	sst s1  }
0xa: {  	[smem:$0x3F9F] =	sst s2  }
0xb: {  	[smem:$0x3FA0] =	sst s3  }
0xc: {  	[smem:$0x3FA1] =	sst s4  }
0xd: {  	[smem:$0x3FA2] =	sst s5  }
0xe: {  	[smem:$0x3FA3] =	sst s6  }
0xf: {  	[smem:$0x3FA4] =	sst s7  }
0x10: {  	[smem:$0x3FA5] =	sst s8  }
0x11: {  	[smem:$0x3FA6] =	sst s9;
	s0 =	simm.s32 @!p0 $0x0  }
0x12: {  	s1 =	sld [smem:$0x3F8C];
	s0 =	simm.s32 @p0 $0x1  }
0x13: {  	[smem:$0x3FA7] =	sst s0;
	s0 =	simm.s32 @!p1 $0x0  }
0x14: {  	s2 =	sld [smem:$0x3F8B];
	s0 =	simm.s32 @p1 $0x1  }
0x15: {  	[smem:$0x3FA8] =	sst s0;
	s0 =	simm.s32 @!p2 $0x0  }
0x16: {  	s3 =	sld [smem:$0x3FDB];
	s0 =	simm.s32 @p2 $0x1  }
0x17: {  	s4 =	simm.s32 $0x1BF5;
	[smem:$0x3FAA] =	sst s0  }
0x18: {  	s0 =	sld [smem:$0x3F8D];
	_ =	swait.ge [sflag:s4], $0x0  }
0x19: {  	s7 =	sld [smem:$0x3F8E]  }
0x1a: {  	s8 =	sadd.s32 $0xFFFFE003, lr  }
0x1b: {  	s9 =	sadd.s32 $0xFFFFFEF7, lr;
	s5 =	simm.s32 $0xFFFFFFFF;
	p2 =	slt.u32 s8, $0xFFFFF086  }
0x1c: {  	p1 =	slt.u32 s9, $0xF7A;
	s5 =	simm.s32 @!p2 $0x0  }
0x1d: {  	s5 =	simm.s32 @p1 $0x1;
	p0 =	seq.s32 s7, s2  }
0x1e: {  	s7 =	smul.u32 @!p0 $0xF7A, s2;
	p2 =	seq.s32 @!p0 s5, $0x0  }
0x1f: {  	s9 =	smul.u32 $0xF7A, s1;
	s8 =	simm.s32 @!p0 $0x1BF5;
	p2 =	por !p2, p0  }
0x20: {  	[sflag:s8] =	ssyncset.s32 @!p0 $0xFFFFF086;
	s6 =	sadd.s32 @!p0 s3, s7;
	s7 =	simm.s32 @!p0 $0x108  }
0x21: {  	s3 =	sadd.s32 s3, s9;
	s6 =	sadd.s32 @!p0 $0x88, s6;
	s7 =	simm.s32 @p2 $0x1082  }
0x22: {  	[simem:s7], [sflag:s8] =	dma.local @!p0 [hbm:s6], $0xF7A  }
0x23: {  	s9 =	sor.u32 $0xD0000000, s2;
	s6 =	simm.s32 $0x108;
	_ =	swait.ge @!p0 [sflag:s8], $0x0  }
0x24: {  	s3 =	sadd.s32 $0x88, s3;
	s6 =	simm.s32 @!p1 $0x1082;
	[sflag:s4] =	ssyncset.s32 $0xFFFFF086  }
0x25: {  	[simem:s6], [sflag:s4] =	dma.local [hbm:s3], $0xF7A  }
0x26: {  	[smem:$0x3F8E] =	sst s1;
	(tag) =	ssettag s2;
	_ =	strace s9  }
0x27: {  	s1 =	sld [smem:$0x3F9E]  }
0x28: {  	s2 =	sld [smem:$0x3F9F]  }
0x29: {  	s4 =	sld [smem:$0x3FA1]  }
0x2a: {  	p0 =	seq.s32 s5, $0x0;
	s5 =	sld [smem:$0x3FA2]  }
0x2b: {  	s6 =	sld [smem:$0x3FA3]  }
0x2c: {  	s7 =	sld [smem:$0x3FA4]  }
0x2d: {  	s3 =	simm.s32 $0x108;
	s8 =	sld [smem:$0x3FA5]  }
0x2e: {  	s3 =	simm.s32 @!p0 $0x1082;
	s9 =	sld [smem:$0x3FA6]  }
0x2f: {  	lr =	sadd.s32 s0, s3;
	s0 =	sld [smem:$0x3F9D]  }
0x30: {  	s3 =	sld [smem:$0x3FA0]  }
0x31: {  	[smem:$0x3FA9] =	sst s10  }
0x32: {  	s10 =	sld [smem:$0x3FA7];
	_ =	sdelay $0x3  }
0x33: {  	p0 =	seq.s32 s10, $0x1;
	s10 =	sld [smem:$0x3FA9];
	_ =	sdelay $0x3  }
0x34: {  	[smem:$0x3FA9] =	sst s10  }
0x35: {  	s10 =	sld [smem:$0x3FA8];
	_ =	sdelay $0x3  }
0x36: {  	p1 =	seq.s32 s10, $0x1;
	s10 =	sld [smem:$0x3FA9];
	_ =	sdelay $0x3  }
0x37: {  	[smem:$0x3FA9] =	sst s10  }
0x38: {  	s10 =	sld [smem:$0x3FAA]  }
0x39: {  	_ = 	snop;
	(pc) =	sbr.ind lr, $3  }
0x3a: {  	_ = 	snop  }
0x3b: {  	_ = 	snop  }
0x3c: {  	p2 =	seq.s32 s10, $0x1;
	s10 =	sld [smem:$0x3FA9]  }
0x3d: {  	_ =	shalt  }
0x3e: {  	_ =	shalt  }
0x3f: {  	_ =	shalt  }
0x40: {  	_ =	shalt  }
0x41: {  	_ =	shalt  }
0x42: {  	_ =	shalt  }
0x43: {  	_ =	shalt  }
0x44: {  	_ =	shalt  }
0x45: {  	_ =	shalt  }
0x46: {  	_ =	shalt  }
0x47: {  	_ =	shalt  }
0x48: {  	_ =	shalt  }
0x49: {  	_ =	shalt  }
0x4a: {  	_ =	shalt  }
0x4b: {  	_ =	shalt  }
0x4c: {  	_ =	shalt  }
0x4d: {  	_ =	shalt  }
0x4e: {  	_ =	shalt  }
0x4f: {  	_ =	shalt  }
0x50: {  	_ =	shalt  }
0x51: {  	_ =	shalt  }
0x52: {  	_ =	shalt  }
0x53: {  	_ =	shalt  }
0x54: {  	_ =	shalt  }
0x55: {  	_ =	shalt  }
0x56: {  	_ =	shalt  }
0x57: {  	_ =	shalt  }
0x58: {  	_ =	shalt  }
0x59: {  	_ =	shalt  }
0x5a: {  	_ =	shalt  }
0x5b: {  	_ =	shalt  }
0x5c: {  	_ =	shalt  }
0x5d: {  	_ =	shalt  }
0x5e: {  	_ =	shalt  }
0x5f: {  	_ =	shalt  }
0x60: {  	_ =	shalt  }
0x61: {  	_ =	shalt  }
0x62: {  	_ =	shalt  }
0x63: {  	_ =	shalt  }
0x64: {  	_ =	shalt  }
0x65: {  	_ =	shalt  }
0x66: {  	_ =	shalt  }
0x67: {  	_ =	shalt  }
0x68: {  	_ =	shalt  }
0x69: {  	_ =	shalt  }
0x6a: {  	_ =	shalt  }
0x6b: {  	_ =	shalt  }
0x6c: {  	_ =	shalt  }
0x6d: {  	_ =	shalt  }
0x6e: {  	_ =	shalt  }
0x6f: {  	_ =	shalt  }
0x70: {  	_ =	shalt  }
0x71: {  	_ =	shalt  }
0x72: {  	_ =	shalt  }
0x73: {  	_ =	shalt  }
0x74: {  	_ =	shalt  }
0x75: {  	_ =	shalt  }
0x76: {  	_ =	shalt  }
0x77: {  	_ =	shalt  }
0x78: {  	_ =	shalt  }
0x79: {  	_ =	shalt  }
0x7a: {  	_ =	shalt  }
0x7b: {  	_ =	shalt  }
0x7c: {  	_ =	shalt  }
0x7d: {  	_ =	shalt  }
0x7e: {  	_ =	shalt  }
0x7f: {  	_ =	shalt  }
0x80: {  	_ =	shalt  }
0x81: {  	_ =	shalt  }
0x82: {  	_ =	shalt  }
0x83: {  	_ =	shalt  }
0x84: {  	_ =	shalt  }
0x85: {  	_ =	shalt  }
0x86: {  	_ =	shalt  }
0x87: {  	_ =	shalt  }
.Lfunc_end0:
.L_simem_size_0:
called_computation_lowered:
.L_overlay_start_0:
0x88: {  	s2 =	sld [smem:$0x3FD9]  }
0x89: {  	s3 =	sld [smem:$0x3FFE];
	_ =	sdelay $0x1  }
0x8a: {  	s1 =	srdreg.scid  }
0x8b: {  	s0 =	sand.u32 $0x1, s1  }
0x8c: {  	s16 =	sshll.u32 s0, $0xA;
	s2 =	sadd.s32 s3, s2  }
0x8d: {  	s2 =	sadd.s32 s2, s16  }
0x8e: {  	[smem:$0x3FB5] =	sst s2  }
0x8f: {  	_ = 	snop  }
0x90: {  	(tm) =	ssettm $0x1  }
0x91: {  	s17 =	sld [smem:$0x3FFB];
	_ =	sdelay $0x3  }
0x92: {  	_ =	strace s17  }
0x93: {  	s2 =	sld [smem:$0x3FFC];
	_ =	sdelay $0x3  }
0x94: {  	_ =	strace s2  }
0x95: {  	s2 =	sld [smem:$0x3FFD];
	_ =	sdelay $0x3  }
0x96: {  	_ =	strace s2  }
0x97: {  	_ =	strace $0x8FFFFFFF  }
0x98: {  	s18 =	sld [smem:$0x3FDB];
	_ =	sdelay $0x1  }
0x99: {  	s19 =	simm.s32 $_scs_section_size  }
0x9a: {  	s4 =	simm.s32 $_size__tile_overlayer_lowered;
	s5 =	simm.s32 $_tile_overlayer_lowered  }
0x9b: {  	s22 =	simm.s32 $0x1BFF;
	s21 =	sshll.u32 s5, $0x1;
	s2 =	sadd.s32 s19, s18  }
0x9c: {  	s6 =	simm.s32 $0x0;
	s20 =	sshll.u32 s4, $0x1;
	s4 =	sadd.s32 s21, s2  }
0x9d: {  	[timem:s6], [sflag:s22] =	dma.local [hbm:s4], s20  }
0x9e: {  	_ =	swait.ge [sflag:s22], s20  }
0x9f: {  	s3 =	ssub.s32 $0x0, s20;
	[sflag:s22] =	ssyncset.done $0x0  }
0xa0: {  	[sflag:s22] =	ssyncadd.s32 s3;
	_ =	sdelay $0x1  }
0xa1: {  	s23 =	simm.s32 $0x1B8B  }
0xa2: {  	_ =	swait.ge [sflag:s23], $0x1  }
0xa3: {  	[sflag:s23] =	ssyncset.done $0x0  }
0xa4: {  	s25 =	simm.s32 $0x1B8E;
	s24 =	sld [smem:$0x3FFE];
	[sflag:s23] =	ssyncadd.s32 $0xFFFFFFFF  }
0xa5: {  	s26 =	simm.s32 $execute0_lowered;
	[smem:$0x3FD2] =	sst s25  }
0xa6: {  	s4 =	sshll.u32 s26, $0x1;
	_ =	strace $0x80000046;
	[dreg:$0x1] =	wrdreg $0xFFFFFFFF  }
0xa7: {  	s28 =	simm.s32 $_size_execute0_lowered;
	s2 =	sadd.s32 s2, s4;
	[dreg:$0x0] =	wrdreg $0x0  }
0xa8: {  	s4 =	sshll.u32 s28, $0x1;
	[dreg:$0x2] =	wrdreg s2  }
0xa9: {  	[dreg:$0x3] =	wrdreg s4  }
0xaa: {  	[dreg:$0x4] =	wrdreg $0xC0  }
0xab: {  	_ =	task [dreg:s6], $0x5FFFF  }
0xac: {  	[dreg:$0x1] =	wrdreg $0xFFFFFFFF  }
0xad: {  	[dreg:$0x0] =	wrdreg $0x60  }
0xae: {  	[dreg:$0x2] =	wrdreg s24  }
0xaf: {  	[dreg:$0x3] =	wrdreg $0x0  }
0xb0: {  	[dreg:$0x4] =	wrdreg $0x9  }
0xb1: {  	_ =	task.clear_ibuf [dreg:s6], $0x5FFFF;
	_ =	strace $0x90000046  }
0xb2: {  	s29 =	simm.s32 $0x9;
	_ =	strace $0x80000048  }
0xb3: {  	_ =	swait.ge [sflag:s29], $0x1  }
0xb4: {  	[sflag:s29] =	ssyncadd.s32 $0xFFFFFFFF  }
0xb5: {  	_ =	strace $0x90000048  }
0xb6: {  	_ =	sfence  }
0xb7: {  	s30 =	sld [smem:$0x0];
	_ =	sdelay $0x2  }
0xb8: {  	s31 =	sshll.u32 s1, $0xD;
	s1 =	sshrl.u32 s1, $0x2  }
0xb9: {  	s3 =	sand.u32 $0x4000, s31;
	s1 =	sadd.s32 s1, s30  }
0xba: {  	s0 =	sor.u32 s3, s0;
	s1 =	sshll.u32 s1, $0x11  }
0xbb: {  	s0 =	sor.u32 s1, s0  }
0xbc: {  	s0 =	sadd.s32 $0x8F2B, s0  }
0xbd: {  	[sflag:s0] =	ssyncadd.remote.s32 $0x1  }
0xbe: {  	_ =	sfence.sel $0xFFFF  }
0xbf: {  	[dreg:$0x0] =	wrdreg $0xFFFFFFFF;
	(pc) =	sbr.abs _section_cstart, $3  }
0xc0: {  	[dreg:$0x1] =	wrdreg $0xFFFFFFFF  }
0xc1: {  	_ =	task.clear_ibuf [dreg:s6], $0x2FFFF;
	_ =	strace $0x9FFFFFFF  }
0xc2: {  	(tm) =	ssettm $0x7FFFFFFF  }
0xc3: {  	_ =	shalt  }
tec
execute0_lowered:
.L_overlay_start_1:
0x0: {  	(tag) =	ssettag $0x1  }
0x1: {  	s0 =	rddreg [dreg:$0x0]  }
0x2: {  	s1 =	rddreg [dreg:$0x1]  }
0x3: {  	s3 =	simm.s32 $0x0;
	s12 =	stileid.u32;
	s2 =	srdreg.scid  }
0x4: {  	s21 =	simm.s32 $0x1A020;
	s22 =	simm.s32 $0x4;
	s28 =	simm.s32 $0x1E820  }
0x5: {  	s29 =	simm.s32 $0x1F020;
	s30 =	simm.s32 $0x1;
	s31 =	simm.s32 $0x2  }
0x6: {  	[smem:$0x7FF] =	sst s3;
	s4 =	sadd.s32 $0xCC00, s0;
	s8 =	smul.u32 $0x272, s12  }
0x7: {  	s5 =	sadd.s32 $0x7C00, s0;
	s6 =	sadd.s32 $0x2C00, s0;
	s2 =	sand.u32 $0x1, s2  }
0x8: {  	s7 =	sadd.s32 $0x33E00, s0;
	s23 =	sshll.u32 s12, $0x1;
	s9 =	ssub.s32 $0x2, s2  }
0x9: {  	s14 =	sor.u32 s2, s23;
	s2 =	smul.u32 $0x160200, s2;
	s10 =	smin.u32 s8, $0x24A0  }
0xa: {  	_ =	strace $0x80000047;
	s23 =	simm.s32 $0x1F820;
	s13 =	smul.u32 $0x90, s10  }
0xb: {  	s8 =	sadd.s32 $0x3E000, s0;
	s11 =	sshrl.u32 s9, $0x1;
	s0 =	sadd.s32 $0x48200, s0  }
0xc: {  	s14 =	smul.u32 $0x2880, s14;
	s15 =	ssub.s32 s9, s11;
	s9 =	sadd.s32 s13, s1  }
0xd: {  	s16 =	sadd.s32 $0x4800, s13;
	s17 =	sadd.s32 $0x9000, s13;
	s18 =	sadd.s32 $0xD800, s13  }
0xe: {  	s19 =	sadd.s32 $0x12000, s13;
	s20 =	sadd.s32 s2, s13;
	s10 =	sadd.s32 s16, s1  }
0xf: {  	s11 =	sadd.s32 s17, s1;
	s12 =	sadd.s32 s18, s1;
	s16 =	sadd.s32 s2, s16  }
0x10: {  	s13 =	sadd.s32 s19, s1;
	s20 =	sshrl.u32 s20, $0x3;
	s24 =	sadd.s32 s2, s17  }
0x11: {  	s25 =	sadd.s32 s2, s18;
	s2 =	sadd.s32 s2, s19;
	s16 =	sshrl.u32 s16, $0x3  }
0x12: {  	s20 =	sadd.s32 s0, s20;
	s17 =	sshrl.u32 s25, $0x3;
	s2 =	sshrl.u32 s2, $0x3  }
0x13: {  	s25 =	simm.s32 $0x80;
	[dreg:$0x3] =	wrdreg s20;
	s16 =	sadd.s32 s0, s16  }
0x14: {  	s26 =	sadd.s32 s0, s17;
	[dreg:$0x4] =	wrdreg s16;
	s16 =	sshrl.u32 s24, $0x3  }
0x15: {  	s20 =	smax.u32 s15, $0x1;
	[dreg:$0x6] =	wrdreg s26;
	s16 =	sadd.s32 s0, s16  }
0x16: {  	v0 =	vimm.f32 $0.0e+00;
	vm0 =	vmmov $0xf;
	v1 =	vimm.s32 $0x0;
	s24 =	simm.s32 $0x1F8A0;
	s0 =	sadd.s32 s0, s2;
	[dreg:$0x5] =	wrdreg s16  }
0x17: {  	v2 =	vimm.s32 $0x1;
	v3 =	vimm.s32 $0x2;
	v4 =	vimm.s32 $0x3;
	s26 =	simm.s32 $0x16020;
	[dreg:$0x7] =	wrdreg s0;
	s0 =	simm.s32 $0x3  }
.LBB2_1:
0x18: {  	s2 =	simm.s32 $0x0;
	s15 =	simm.s32 $0x240  }
.LBB2_2:
0x19: {  	p0 =	sne.s32 s15, $0x11DC0;
	[tilespmem:s2+$0x1A0A0] =	vst v0  }
0x1a: {  	[tilespmem:s2+$0x1A020] =	vst v0  }
0x1b: {  	[tilespmem:s2+$0x1A030] =	vst v0  }
0x1c: {  	[tilespmem:s2+$0x1A040] =	vst v0  }
.Ltmp0:
0x1d: {  	[tilespmem:s2+$0x1A050] =	vst v0;
	(pc) =	sbr.rel @p0 .LBB2_2-.Ltmp0, $4  }
0x1e: {  	[tilespmem:s2+$0x1A060] =	vst v0  }
0x1f: {  	[tilespmem:s2+$0x1A070] =	vst v0  }
0x20: {  	[tilespmem:s2+$0x1A080] =	vst v0  }
0x21: {  	[tilespmem:s2+$0x1A090] =	vst v0;
	s2 =	sshra.s32 s15, $0x2;
	s15 =	sadd.s32 $0x240, s15  }
0x22: {  	[tilespmem:s2+$0x1A0A0] =	vst v0  }
0x23: {  	[tilespmem:s2+$0x1A020] =	vst v0  }
0x24: {  	[tilespmem:s2+$0x1A030] =	vst v0  }
0x25: {  	[tilespmem:s2+$0x1A040] =	vst v0  }
0x26: {  	[tilespmem:s2+$0x1A050] =	vst v0  }
0x27: {  	[tilespmem:s2+$0x1A060] =	vst v0  }
0x28: {  	[tilespmem:s2+$0x1A070] =	vst v0  }
0x29: {  	[tilespmem:s2+$0x1A080] =	vst v0  }
0x2a: {  	[tilespmem:s2+$0x1A090] =	vst v0  }
0x2b: {  	[spmem:s9] =	stream.linear.scatter [tilespmem:s21], [sflag:$0x4], $0x4800, $0x38;
	[tilespmem:$0x1F920] =	vst v63  }
0x2c: {  	_ =	swait.ge [sflag:s22], $0x4800  }
0x2d: {  	[sflag:s22] =	ssyncset.done $0x0  }
0x2e: {  	[sflag:s22] =	ssyncadd.s32 $0xFFFFB800  }
0x2f: {  	[spmem:s10] =	stream.linear.scatter [tilespmem:s21], [sflag:$0x4], $0x4800, $0x38;
	[tilespmem:$0x1F920] =	vst v63  }
0x30: {  	_ =	swait.ge [sflag:s22], $0x4800  }
0x31: {  	[sflag:s22] =	ssyncset.done $0x0  }
0x32: {  	[sflag:s22] =	ssyncadd.s32 $0xFFFFB800  }
0x33: {  	[spmem:s11] =	stream.linear.scatter [tilespmem:s21], [sflag:$0x4], $0x4800, $0x38;
	[tilespmem:$0x1F920] =	vst v63  }
0x34: {  	_ =	swait.ge [sflag:s22], $0x4800  }
0x35: {  	[sflag:s22] =	ssyncset.done $0x0  }
0x36: {  	[sflag:s22] =	ssyncadd.s32 $0xFFFFB800  }
0x37: {  	[spmem:s12] =	stream.linear.scatter [tilespmem:s21], [sflag:$0x4], $0x4800, $0x38;
	[tilespmem:$0x1F920] =	vst v63  }
0x38: {  	_ =	swait.ge [sflag:s22], $0x4800  }
0x39: {  	[sflag:s22] =	ssyncset.done $0x0  }
0x3a: {  	[sflag:s22] =	ssyncadd.s32 $0xFFFFB800  }
0x3b: {  	[spmem:s13] =	stream.linear.scatter [tilespmem:s21], [sflag:$0x4], $0x4800, $0x38;
	[tilespmem:$0x1F920] =	vst v63  }
0x3c: {  	_ =	swait.ge [sflag:s22], $0x4800  }
0x3d: {  	[sflag:s22] =	ssyncset.done $0x0  }
0x3e: {  	[sflag:s22] =	ssyncadd.s32 $0xFFFFB800  }
0x3f: {  	s2 =	simm.s32 $0x0;
	s15 =	simm.s32 $0x0;
	[bflag:$0x0] =	sbarrier.arrive $0xFFFF  }
.LBB2_4:
0x40: {  	s16 =	sshll.u32 s15, $0x7  }
0x41: {  	s16 =	sadd.s32 s14, s16  }
0x42: {  	s16 =	sshrl.u32 s16, $0x3  }
0x43: {  	s17 =	sadd.s32 s7, s16  }
0x44: {  	[tilespmem:s23], [sflag:$0x4] =	stream.linear.gather [hbm4b:s17+s2], $0x80, $0x38;
	[tilespmem:$0x1F920] =	vst v63  }
0x45: {  	_ =	swait.ge [sflag:s22], $0x80  }
0x46: {  	[sflag:s22] =	ssyncset.done $0x0  }
0x47: {  	s16 =	sadd.s32 s8, s16;
	[sflag:s22] =	ssyncadd.s32 $0xFFFFFF80  }
0x48: {  	[tilespmem:s24], [sflag:$0x4] =	stream.linear.gather [hbm4b:s16+s2], $0x80, $0x38;
	[tilespmem:$0x1F920] =	vst v63  }
0x49: {  	_ =	swait.ge [sflag:s22], $0x80  }
0x4a: {  	[sflag:s22] =	ssyncset.done $0x0  }
0x4b: {  	[sflag:s22] =	ssyncadd.s32 $0xFFFFFF80  }
0x4c: {  	[tilespmem:s26], [sflag:$0x1] =	stream.indirect.gather [hbm4b:s4+s25], $0x80, s23, s25, $0xb8;
	[tilespmem:$0x1F920] =	vst v63  }
0x4d: {  	_ = 	snop  }
0x4e: {  	[tilespmem:s28], [sflag:$0x2] =	stream.indirect.gather [hbm4b:s5+s25], $0x10, s23, s25, $0xb8;
	[tilespmem:$0x1F920] =	vst v63  }
0x4f: {  	_ = 	snop  }
0x50: {  	[tilespmem:s29], [sflag:$0x3] =	stream.indirect.gather [hbm4b:s6+s25], $0x10, s24, s25, $0xb8;
	[tilespmem:$0x1F920] =	vst v63  }
0x51: {  	_ =	swait.ge [sflag:s30], $0x4000  }
0x52: {  	[sflag:s30] =	ssyncset.done $0x0  }
0x53: {  	[sflag:s30] =	ssyncadd.s32 $0xFFFFC000  }
0x54: {  	_ =	swait.ge [sflag:s31], $0x800  }
0x55: {  	[sflag:s31] =	ssyncset.done $0x0  }
0x56: {  	[sflag:s31] =	ssyncadd.s32 $0xFFFFF800  }
0x57: {  	_ =	swait.ge [sflag:s0], $0x800  }
0x58: {  	[sflag:s0] =	ssyncset.done $0x0  }
0x59: {  	s19 =	simm.s32 $0x0;
	[sflag:s0] =	ssyncadd.s32 $0xFFFFF800  }
0x5a: {  	v5 =	vld [tilespmem:s19+$0x1E820]  }
0x5b: {  	v6 =	vld [tilespmem:s19+$0x1F020];
	_ =	sdelay $0x4  }
0x5c: {  	v5 =	vadd.f32 v6, v5;
	_ =	sdelay $0x1  }
0x5d: {  	v6 =	vmul.f32 $2.000000030e-01, v5;
	_ =	sdelay $0x1  }
0x5e: {  	v5 =	vmax.f32 v5, v6  }
0x5f: {  	v5 =	vmul.f32 $1.442695020e+00, v5;
	_ =	sdelay $0x1  }
0x60: {  	(erf) = vpow2.f32 v5;
	_ =	sdelay $0x8  }
0x61: {  	v5 =	vpop (erf)  }
0x62: {  	s16 =	simm.s32 $0x1A060;
	v5 =	vnsel vm0, $0x0, v5  }
0x63: {  	s17 =	simm.s32 $0x16060;
	[tilespmem:s16+$0x40] =	vst v5  }
0x64: {  	v6 =	vld [tilespmem:s17+$0xFFFFFFC0];
	_ =	sdelay $0x2  }
0x65: {  	v7 =	vperm.xlane v5, v1;
	_ =	sdelay $0x1  }
0x66: {  	v6 =	vmul.f32 v6, v7;
	_ =	sdelay $0x1  }
0x67: {  	[tilespmem:s16+$0xFFFFFFC0] =	vst v6  }
0x68: {  	v6 =	vld [tilespmem:s17+$0xFFFFFFD0];
	_ =	sdelay $0x4  }
0x69: {  	v6 =	vmul.f32 v6, v7;
	_ =	sdelay $0x1  }
0x6a: {  	[tilespmem:s16+$0xFFFFFFD0] =	vst v6  }
0x6b: {  	v6 =	vld [tilespmem:s17+$0xFFFFFFE0];
	_ =	sdelay $0x2  }
0x6c: {  	v7 =	vperm.xlane v5, v2;
	_ =	sdelay $0x1  }
0x6d: {  	v6 =	vmul.f32 v6, v7;
	_ =	sdelay $0x1  }
0x6e: {  	[tilespmem:s16+$0xFFFFFFE0] =	vst v6  }
0x6f: {  	v6 =	vld [tilespmem:s17+$0xFFFFFFF0];
	_ =	sdelay $0x4  }
0x70: {  	v6 =	vmul.f32 v6, v7;
	_ =	sdelay $0x1  }
0x71: {  	[tilespmem:s16+$0xFFFFFFF0] =	vst v6  }
0x72: {  	v6 =	vld [tilespmem:s17+$0x0];
	_ =	sdelay $0x2  }
0x73: {  	v7 =	vperm.xlane v5, v3;
	_ =	sdelay $0x1  }
0x74: {  	v6 =	vmul.f32 v6, v7;
	_ =	sdelay $0x1  }
0x75: {  	[tilespmem:s16+$0x0] =	vst v6  }
0x76: {  	v6 =	vld [tilespmem:s17+$0x10];
	_ =	sdelay $0x4  }
0x77: {  	v6 =	vmul.f32 v6, v7;
	_ =	sdelay $0x1  }
0x78: {  	[tilespmem:s16+$0x10] =	vst v6  }
0x79: {  	v6 =	vld [tilespmem:s17+$0x20];
	_ =	sdelay $0x2  }
0x7a: {  	v5 =	vperm.xlane v5, v4;
	_ =	sdelay $0x1  }
0x7b: {  	v6 =	vmul.f32 v6, v5;
	_ =	sdelay $0x1  }
0x7c: {  	[tilespmem:s16+$0x20] =	vst v6  }
0x7d: {  	v6 =	vld [tilespmem:s17+$0x30];
	_ =	sdelay $0x4  }
0x7e: {  	v5 =	vmul.f32 v6, v5;
	_ =	sdelay $0x1  }
0x7f: {  	s19 =	simm.s32 $0x10;
	[tilespmem:s16+$0x30] =	vst v5  }
0x80: {  	s18 =	simm.s32 $0x80;
	v5 =	vld [tilespmem:s19+$0x1E820]  }
.LBB2_5:
0x81: {  	p0 =	sne.s32 s18, $0x1FC0;
	v6 =	vld [tilespmem:s19+$0x1F020];
	_ =	sdelay $0x4  }
0x82: {  	v5 =	vadd.f32 v6, v5;
	_ =	sdelay $0x1  }
0x83: {  	v6 =	vmul.f32 $2.000000030e-01, v5;
	_ =	sdelay $0x1  }
0x84: {  	v5 =	vmax.f32 v5, v6  }
0x85: {  	v5 =	vmul.f32 $1.442695020e+00, v5;
	_ =	sdelay $0x1  }
0x86: {  	(erf) = vpow2.f32 v5;
	_ =	sdelay $0x8  }
0x87: {  	v5 =	vpop (erf)  }
0x88: {  	s16 =	sadd.s32 $0x90, s16;
	v5 =	vnsel vm0, $0x0, v5  }
0x89: {  	s17 =	sadd.s32 $0x80, s17;
	[tilespmem:s16+$0x40] =	vst v5  }
0x8a: {  	v6 =	vld [tilespmem:s17+$0xFFFFFFC0];
	_ =	sdelay $0x2  }
0x8b: {  	v7 =	vperm.xlane v5, v1;
	_ =	sdelay $0x1  }
0x8c: {  	v6 =	vmul.f32 v6, v7;
	_ =	sdelay $0x1  }
0x8d: {  	[tilespmem:s16+$0xFFFFFFC0] =	vst v6  }
0x8e: {  	v6 =	vld [tilespmem:s17+$0xFFFFFFD0];
	_ =	sdelay $0x4  }
0x8f: {  	v6 =	vmul.f32 v6, v7;
	_ =	sdelay $0x1  }
0x90: {  	[tilespmem:s16+$0xFFFFFFD0] =	vst v6  }
0x91: {  	v6 =	vld [tilespmem:s17+$0xFFFFFFE0];
	_ =	sdelay $0x2  }
0x92: {  	v7 =	vperm.xlane v5, v2;
	_ =	sdelay $0x1  }
0x93: {  	v6 =	vmul.f32 v6, v7;
	_ =	sdelay $0x1  }
0x94: {  	[tilespmem:s16+$0xFFFFFFE0] =	vst v6  }
0x95: {  	v6 =	vld [tilespmem:s17+$0xFFFFFFF0];
	_ =	sdelay $0x4  }
0x96: {  	v6 =	vmul.f32 v6, v7;
	_ =	sdelay $0x1  }
0x97: {  	[tilespmem:s16+$0xFFFFFFF0] =	vst v6  }
0x98: {  	v6 =	vld [tilespmem:s17+$0x0];
	_ =	sdelay $0x2  }
0x99: {  	v7 =	vperm.xlane v5, v3;
	_ =	sdelay $0x1  }
0x9a: {  	v6 =	vmul.f32 v6, v7;
	_ =	sdelay $0x1  }
0x9b: {  	[tilespmem:s16+$0x0] =	vst v6  }
0x9c: {  	v6 =	vld [tilespmem:s17+$0x10];
	_ =	sdelay $0x4  }
0x9d: {  	v6 =	vmul.f32 v6, v7;
	_ =	sdelay $0x1  }
0x9e: {  	[tilespmem:s16+$0x10] =	vst v6  }
0x9f: {  	v6 =	vld [tilespmem:s17+$0x20];
	_ =	sdelay $0x2  }
0xa0: {  	v5 =	vperm.xlane v5, v4;
	_ =	sdelay $0x1  }
0xa1: {  	v6 =	vmul.f32 v6, v5;
	_ =	sdelay $0x1  }
0xa2: {  	[tilespmem:s16+$0x20] =	vst v6  }
0xa3: {  	v6 =	vld [tilespmem:s17+$0x30];
	_ =	sdelay $0x3  }
.Ltmp1:
0xa4: {  	(pc) =	sbr.rel @p0 .LBB2_5-.Ltmp1, $3  }
0xa5: {  	v5 =	vmul.f32 v6, v5;
	_ =	sdelay $0x1  }
0xa6: {  	s19 =	sshra.s32 s18, $0x2;
	[tilespmem:s16+$0x30] =	vst v5  }
0xa7: {  	s18 =	sadd.s32 $0x40, s18;
	v5 =	vld [tilespmem:s19+$0x1E820]  }
0xa8: {  	v6 =	vld [tilespmem:s19+$0x1F020];
	_ =	sdelay $0x4  }
0xa9: {  	v5 =	vadd.f32 v6, v5;
	_ =	sdelay $0x1  }
0xaa: {  	v6 =	vmul.f32 $2.000000030e-01, v5;
	_ =	sdelay $0x1  }
0xab: {  	v5 =	vmax.f32 v5, v6  }
0xac: {  	v5 =	vmul.f32 $1.442695020e+00, v5;
	_ =	sdelay $0x1  }
0xad: {  	(erf) = vpow2.f32 v5;
	_ =	sdelay $0x8  }
0xae: {  	v5 =	vpop (erf)  }
0xaf: {  	s16 =	sadd.s32 $0x90, s16;
	v5 =	vnsel vm0, $0x0, v5  }
0xb0: {  	s17 =	sadd.s32 $0x80, s17;
	[tilespmem:s16+$0x40] =	vst v5  }
0xb1: {  	v6 =	vld [tilespmem:s17+$0xFFFFFFC0];
	_ =	sdelay $0x2  }
0xb2: {  	v7 =	vperm.xlane v5, v1;
	_ =	sdelay $0x1  }
0xb3: {  	v6 =	vmul.f32 v6, v7;
	_ =	sdelay $0x1  }
0xb4: {  	[tilespmem:s16+$0xFFFFFFC0] =	vst v6  }
0xb5: {  	v6 =	vld [tilespmem:s17+$0xFFFFFFD0];
	_ =	sdelay $0x4  }
0xb6: {  	v6 =	vmul.f32 v6, v7;
	_ =	sdelay $0x1  }
0xb7: {  	[tilespmem:s16+$0xFFFFFFD0] =	vst v6  }
0xb8: {  	v6 =	vld [tilespmem:s17+$0xFFFFFFE0];
	_ =	sdelay $0x2  }
0xb9: {  	v7 =	vperm.xlane v5, v2;
	_ =	sdelay $0x1  }
0xba: {  	v6 =	vmul.f32 v6, v7;
	_ =	sdelay $0x1  }
0xbb: {  	[tilespmem:s16+$0xFFFFFFE0] =	vst v6  }
0xbc: {  	v6 =	vld [tilespmem:s17+$0xFFFFFFF0];
	_ =	sdelay $0x4  }
0xbd: {  	v6 =	vmul.f32 v6, v7;
	_ =	sdelay $0x1  }
0xbe: {  	[tilespmem:s16+$0xFFFFFFF0] =	vst v6  }
0xbf: {  	v6 =	vld [tilespmem:s17+$0x0];
	_ =	sdelay $0x2  }
0xc0: {  	v7 =	vperm.xlane v5, v3;
	_ =	sdelay $0x1  }
0xc1: {  	v6 =	vmul.f32 v6, v7;
	_ =	sdelay $0x1  }
0xc2: {  	[tilespmem:s16+$0x0] =	vst v6  }
0xc3: {  	v6 =	vld [tilespmem:s17+$0x10];
	_ =	sdelay $0x4  }
0xc4: {  	v6 =	vmul.f32 v6, v7;
	_ =	sdelay $0x1  }
0xc5: {  	[tilespmem:s16+$0x10] =	vst v6  }
0xc6: {  	v6 =	vld [tilespmem:s17+$0x20];
	_ =	sdelay $0x2  }
0xc7: {  	v5 =	vperm.xlane v5, v4;
	_ =	sdelay $0x1  }
0xc8: {  	v6 =	vmul.f32 v6, v5;
	_ =	sdelay $0x1  }
0xc9: {  	[tilespmem:s16+$0x20] =	vst v6  }
0xca: {  	v6 =	vld [tilespmem:s17+$0x30];
	_ =	sdelay $0x4  }
0xcb: {  	s15 =	sadd.s32 $0x1, s15;
	v5 =	vmul.f32 v6, v5  }
0xcc: {  	p0 =	sne.s32 s15, $0x51  }
.Ltmp2:
0xcd: {  	[tilespmem:s16+$0x30] =	vst v5;
	(pc) =	sbr.rel @p0 .LBB2_4-.Ltmp2, $4  }
0xce: {  	[spmem:s1] =	stream.indirect.scatter.add.f32 [tilespmem:s21], [sflag:$0x4], $0x90, s24, s25, $0xb8;
	[tilespmem:$0x1F920] =	vst v63  }
0xcf: {  	_ =	swait.ge [sflag:s22], $0x4800  }
0xd0: {  	[sflag:s22] =	ssyncset.done $0x0  }
0xd1: {  	[sflag:s22] =	ssyncadd.s32 $0xFFFFB800  }
0xd2: {  	s2 =	stileid.u32  }
0xd3: {  	[bflag:$0x0] =	sbarrier.arrive $0xFFFF;
	s2 =	sshll.u32 s2, $0x6  }
0xd4: {  	s15 =	sshrl.u32 s9, $0x3;
	s16 =	rddreg [dreg:$0x3];
	s2 =	sor.u32 $0x1C04, s2  }
0xd5: {  	[hbm:s16], [sflag:s2] =	dma.local [spmem:s15], $0x900  }
0xd6: {  	_ =	swait.ge [sflag:s22], $0x900  }
0xd7: {  	[sflag:s22] =	ssyncset.done $0x0  }
0xd8: {  	s16 =	sshrl.u32 s10, $0x3;
	s17 =	rddreg [dreg:$0x4];
	[sflag:s22] =	ssyncadd.s32 $0xFFFFF700  }
0xd9: {  	[hbm:s17], [sflag:s2] =	dma.local [spmem:s16], $0x900  }
0xda: {  	_ =	swait.ge [sflag:s22], $0x900  }
0xdb: {  	[sflag:s22] =	ssyncset.done $0x0  }
0xdc: {  	s18 =	sshrl.u32 s11, $0x3;
	s19 =	rddreg [dreg:$0x5];
	[sflag:s22] =	ssyncadd.s32 $0xFFFFF700  }
0xdd: {  	[hbm:s19], [sflag:s2] =	dma.local [spmem:s18], $0x900  }
0xde: {  	_ =	swait.ge [sflag:s22], $0x900  }
0xdf: {  	[sflag:s22] =	ssyncset.done $0x0  }
0xe0: {  	s16 =	sshrl.u32 s12, $0x3;
	s17 =	rddreg [dreg:$0x6];
	[sflag:s22] =	ssyncadd.s32 $0xFFFFF700  }
0xe1: {  	[hbm:s17], [sflag:s2] =	dma.local [spmem:s16], $0x900  }
0xe2: {  	s3 =	sadd.s32 $0x1, s3;
	_ =	swait.ge [sflag:s22], $0x900  }
0xe3: {  	p0 =	sne.s32 s3, s20;
	s18 =	sshrl.u32 s13, $0x3;
	[sflag:s22] =	ssyncset.done $0x0  }
.Ltmp3:
0xe4: {  	s19 =	rddreg [dreg:$0x7];
	[sflag:s22] =	ssyncadd.s32 $0xFFFFF700;
	(pc) =	sbr.rel @p0 .LBB2_1-.Ltmp3, $4  }
0xe5: {  	[hbm:s19], [sflag:s2] =	dma.local [spmem:s18], $0x900  }
0xe6: {  	_ =	swait.ge [sflag:s22], $0x900  }
0xe7: {  	[sflag:s22] =	ssyncset.done $0x0  }
0xe8: {  	[sflag:s22] =	ssyncadd.s32 $0xFFFFF700  }
0xe9: {  	_ =	sfence.sel $0x180000  }
0xea: {  	[bflag:$0x0] =	sbarrier.arrive $0xFFFF  }
0xeb: {  	_ =	strace $0x90000047  }
0xec: {  	s0 =	stileid.u32;
	[bflag:$0x2] =	sbarrier.arrive $0xFFFF  }
0xed: {  	p0 =	sne.s32 s0, $0x0;
	s0 =	rddreg [dreg:$0x2]  }
0xee: {  	s0 =	sadd.s32 @!p0 $0x100000, s0  }
0xef: {  	[sflag:s0] =	ssyncadd.tile.s32 @!p0 $0x1;
	_ =	shalt  }
.Lfunc_end2:
_tile_overlayer_lowered:
.L_overlay_start_2:
0xf0: {  	(tag) =	ssettag $0x2  }
0xf1: {  	s0 =	rddreg [dreg:$0x0];
	s2 =	stileid.u32  }
0xf2: {  	s1 =	rddreg [dreg:$0x1];
	p0 =	sne.s32 s2, $0x0  }
0xf3: {  	s3 =	rddreg [dreg:$0x2];
	[bflag:$0x3] =	sbarrier.arrive $0xFFFF;
	s2 =	simm.s32 @!p0 $0x1C04  }
0xf4: {  	[timem:s3], [sflag:s2] =	dma.local @!p0 [hbm:s0], s1  }
0xf5: {  	s0 =	simm.s32 @!p0 $0x4  }
0xf6: {  	_ =	swait.ge @!p0 [sflag:s0], s1  }
0xf7: {  	s1 =	ssub.s32 @!p0 $0x0, s1;
	[sflag:s0] =	ssyncset.done @!p0 $0x0  }
0xf8: {  	[sflag:s0] =	ssyncadd.s32 @!p0 s1  }
0xf9: {  	[bflag:$0x3] =	sbarrier.arrive $0xFFFF  }
0xfa: {  	_ =	shalt  }

</sc_bundles>
